<compile_context>
chip_gen: v7x
topology: tpu7x:2x2x1
jax: 0.10.2.dev20260603
libtpu: 0.0.44.dev20260713+nightly
codegen_flags: <defaults>
</compile_context>

<pallas_src>
import dataclasses
import functools

import jax
import jax.numpy as jnp
from jax import lax
from jax.experimental import pallas as pl
from jax.experimental.pallas import tpu as pltpu
from jax.experimental.pallas import tpu_sc as plsc

_NUM_POINTS = 100000
_DIMS = 128
_BATCH = 16384
_SCALE_COEF = 1.0
_EPS = 1e-7

_NC = 2
_NS = 16
_L = 16
_NW = _NC * _NS
_BPW = _BATCH // _NW

_mesh = plsc.VectorSubcoreMesh(
    core_axis_name="c", subcore_axis_name="s", num_cores=_NC, num_subcores=_NS
)

_sc_params = pltpu.CompilerParams()
if "needs_layout_passes" in pltpu.CompilerParams.__dataclass_fields__:
    _sc_params = dataclasses.replace(_sc_params, needs_layout_passes=False)


_CHG = 128
_BUFN = 3


@functools.cache
def _make_sc_gather(n_pairs):
    bpw = n_pairs // _NW
    ntask = 2 * (bpw // _CHG)

    @functools.partial(
        pl.kernel,
        out_type=(
            jax.ShapeDtypeStruct((n_pairs, _DIMS), jnp.float32),
            jax.ShapeDtypeStruct((n_pairs, _DIMS), jnp.float32),
        ),
        mesh=_mesh,
        scratch_types=[
            pltpu.VMEM((bpw,), jnp.int32),
            pltpu.VMEM((bpw,), jnp.int32),
            pltpu.VMEM((_BUFN, _CHG, _DIMS), jnp.float32),
            [pltpu.SemaphoreType.DMA] * _BUFN,
            [pltpu.SemaphoreType.DMA] * _BUFN,
        ],
        compiler_params=_sc_params,
    )
    def sc_gather(
        emb_hbm, sidx_hbm, didx_hbm, src_out, dst_out,
        sidx_v, didx_v, bufs, sems_in, sems_out,
    ):
        wid = lax.axis_index("s") * _NC + lax.axis_index("c")
        base = wid * bpw
        pltpu.sync_copy(sidx_hbm.at[pl.ds(base, bpw)], sidx_v)
        pltpu.sync_copy(didx_hbm.at[pl.ds(base, bpw)], didx_v)

        def task(t):
            idx_v = sidx_v if t % 2 == 0 else didx_v
            out = src_out if t % 2 == 0 else dst_out
            return idx_v, out, (t // 2) * _CHG

        def issue_in(t):
            idx_v, _, off = task(t)
            b = t % _BUFN
            return pltpu.async_copy(
                emb_hbm.at[idx_v.at[pl.ds(off, _CHG)]], bufs.at[b], sems_in[b]
            )

        def issue_out(t):
            _, out, off = task(t)
            b = t % _BUFN
            return pltpu.async_copy(
                bufs.at[b], out.at[pl.ds(base + off, _CHG)], sems_out[b]
            )

        din = {}
        dout = {}
        ahead = min(_BUFN - 1, ntask)
        for t in range(ahead):
            din[t] = issue_in(t)
        unwaited = []
        for t in range(ntask):
            din[t].wait()
            dout[t] = issue_out(t)
            unwaited.append(t)
            nt = t + ahead
            if nt < ntask:
                prev = nt - _BUFN
                if prev >= 0:
                    dout[prev].wait()
                    unwaited.remove(prev)
                din[nt] = issue_in(nt)
        for t in unwaited:
            dout[t].wait()

    return sc_gather


_ROWS_PER_BLK = 4096
_NBLK = _BATCH // _ROWS_PER_BLK

_DN = (((1,), (1,)), ((), ()))


def _row_sums(prod, ones_bf):
    return jax.lax.dot_general(
        ones_bf, prod.astype(jnp.bfloat16), _DN,
        preferred_element_type=jnp.float32,
    )


def _tc_dist(src_ref, dst_ref, scale_ref, o_ref):
    s = src_ref[...]
    t = dst_ref[...]
    d = s - t
    ones_bf = jnp.ones((8, _DIMS), jnp.bfloat16)
    d2 = d * d
    d2h = d2.astype(jnp.bfloat16).astype(jnp.float32)
    ssq = _row_sums(s * s, ones_bf)[0:1]
    tsq = _row_sums(t * t, ones_bf)[0:1]
    sqd = (_row_sums(d2h, ones_bf) + _row_sums(d2 - d2h, ones_bf))[0:1]
    den = jnp.maximum(1.0 - ssq, _EPS) * jnp.maximum(1.0 - tsq, _EPS)
    arg = jnp.maximum(1.0 + 2.0 * sqd / den, 1.0 + _EPS)
    sval = jnp.maximum(scale_ref[0, 0] / _SCALE_COEF, 0.1)
    res = jnp.log(arg + jnp.sqrt((arg - 1.0) * (arg + 1.0))) * sval
    o_ref[...] = res.reshape(1, 1, _ROWS_PER_BLK)


def _tc_dist_call(src_e, dst_e, scale2):
    n = src_e.shape[0]
    nblk = n // _ROWS_PER_BLK
    dist = pl.pallas_call(
        _tc_dist,
        grid=(nblk,),
        in_specs=[
            pl.BlockSpec((_ROWS_PER_BLK, _DIMS), lambda i: (i, 0)),
            pl.BlockSpec((_ROWS_PER_BLK, _DIMS), lambda i: (i, 0)),
            pl.BlockSpec((1, 1), lambda i: (0, 0)),
        ],
        out_specs=pl.BlockSpec((1, 1, _ROWS_PER_BLK), lambda i: (i, 0, 0)),
        out_shape=jax.ShapeDtypeStruct((nblk, 1, _ROWS_PER_BLK), jnp.float32),
    )(src_e, dst_e, scale2)
    return dist.reshape(n)


def kernel(input_triplet, embeddings, scale):
    trip = input_triplet.astype(jnp.int32)
    src_e, dst_e = _make_sc_gather(_BATCH)(embeddings, trip[:, 0], trip[:, 1])
    return _tc_dist_call(src_e, dst_e, scale.reshape(1, 1))

# --- scband reference (transcript-rebuilt; emitter-appended) ---
"""Pipeline reference for scband-model-53669911330951 (READ-ONLY COPY).

The authoritative reference and input builder live on the scoring server;
editing this copy changes nothing except your own understanding.
"""

import jax, jax.numpy as jnp
import numpy as np

NUM_POINTS = 100000
DIMS = 128
BATCH = 16384
SCALE_COEF = 1.0
SCALE_INIT = 1.0
EPS = 1e-7


def setup_inputs(seed: int = 0) -> dict:
    key = jax.random.key(seed)
    k1, k2 = jax.random.split(key)
    input_triplet = jax.random.randint(k1, (BATCH, 3), 0, NUM_POINTS, dtype=jnp.int64)
    # Poincare-ball embeddings initialized well inside the unit ball
    embeddings = jax.random.normal(k2, (NUM_POINTS, DIMS), dtype=jnp.float32) * 1e-3
    scale = jnp.array([SCALE_COEF * SCALE_INIT], dtype=jnp.float32)
    return {"input_triplet": input_triplet, "embeddings": embeddings, "scale": scale}


def _poincare_dist(src, dst):
    sq_diff = jnp.sum((src - dst) ** 2, axis=-1)
    src_sq = jnp.sum(src ** 2, axis=-1)
    dst_sq = jnp.sum(dst ** 2, axis=-1)
    denom = jnp.clip(1.0 - src_sq, EPS, None) * jnp.clip(1.0 - dst_sq, EPS, None)
    arg = 1.0 + 2.0 * sq_diff / denom
    arg = jnp.clip(arg, 1.0 + EPS, None)
    return jnp.arccosh(arg)


def reference(input_triplet, embeddings, scale):
    src_index = input_triplet[:, 0]
    dst_index = input_triplet[:, 1]
    src_embeds = jnp.take(embeddings, src_index, axis=0)
    dst_embeds = jnp.take(embeddings, dst_index, axis=0)
    distances = _poincare_dist(src_embeds, dst_embeds)
    scale_val = jnp.clip(scale / SCALE_COEF, 0.1, None)
    return distances * scale_val

if __name__ == "__main__":
    import jax
    _d = setup_inputs()
    print(jax.jit(kernel)(*tuple(_d.values())))

</pallas_src>

<mosaic_0001>
#map = affine_map<(d0, d1) -> (0, 0)>
#map1 = affine_map<(d0, d1) -> (0)>
module attributes {stable_mosaic.version = 14 : i64} {
  func.func @sc_gather(%arg0: i32, %arg1: i32, %arg2: memref<100000x128xf32, #tpu.memory_space<hbm>>, %arg3: memref<16384xi32, #tpu.memory_space<hbm>>, %arg4: memref<16384xi32, #tpu.memory_space<hbm>>, %arg5: memref<16384x128xf32, #tpu.memory_space<hbm>>, %arg6: memref<16384x128xf32, #tpu.memory_space<hbm>>, %arg7: memref<512xi32, #tpu.memory_space<vmem>>, %arg8: memref<512xi32, #tpu.memory_space<vmem>>, %arg9: memref<3x128x128xf32, #tpu.memory_space<vmem>>, %arg10: memref<!tpu.dma_semaphore, #tpu.memory_space<semaphore_mem>>, %arg11: memref<!tpu.dma_semaphore, #tpu.memory_space<semaphore_mem>>, %arg12: memref<!tpu.dma_semaphore, #tpu.memory_space<semaphore_mem>>, %arg13: memref<!tpu.dma_semaphore, #tpu.memory_space<semaphore_mem>>, %arg14: memref<!tpu.dma_semaphore, #tpu.memory_space<semaphore_mem>>, %arg15: memref<!tpu.dma_semaphore, #tpu.memory_space<semaphore_mem>>) attributes {dimension_semantics = [#tpu.dimension_semantics<core_parallel>, #tpu.dimension_semantics<subcore_parallel>], iteration_bounds = array<i64: 2, 16>, scalar_prefetch = 0 : i64, scratch_operands = 9 : i64, tpu.core_type = #tpu.core_type<sc_vector_subcore>, window_params = [{transform_indices = #map}, {transform_indices = #map1}, {transform_indices = #map1}, {transform_indices = #map}, {transform_indices = #map}]} {
    %mul3A = arith.constant 2 : i32
    %mul3A_0 = arith.muli %arg1, %mul3A : i32
    %add3A = arith.addi %mul3A_0, %arg0 : i32
    %mul3A_1 = arith.constant 512 : i32
    %mul3A_2 = arith.muli %add3A, %mul3A_1 : i32
    "tpu.region"() ({
      %run_scoped3A = tpu.sem_alloc : memref<!tpu.dma_semaphore, #tpu.memory_space<semaphore_mem>>
      %dma_start3A_385 = tpu.memref_slice %arg3[%mul3A_2] : memref<16384xi32, #tpu.memory_space<hbm>> -> memref<512xi32, #tpu.memory_space<hbm>>
      %dma_start3A_386 = tpu.memref_slice %arg3[%mul3A_2] : memref<16384xi32, #tpu.memory_space<hbm>> -> memref<512xi32, #tpu.memory_space<hbm>>
      tpu.enqueue_dma source(%dma_start3A_386 : memref<512xi32, #tpu.memory_space<hbm>>) target(%arg7 : memref<512xi32, #tpu.memory_space<vmem>>) target_semaphore(%run_scoped3A : memref<!tpu.dma_semaphore, #tpu.memory_space<semaphore_mem>>)
      %dma_wait3A_387 = tpu.memref_slice %arg3[%mul3A_2] : memref<16384xi32, #tpu.memory_space<hbm>> -> memref<512xi32, #tpu.memory_space<hbm>>
      %dma_wait3A_388 = tpu.memref_slice %arg3[%mul3A_2] : memref<16384xi32, #tpu.memory_space<hbm>> -> memref<512xi32, #tpu.memory_space<hbm>>
      tpu.wait_dma2 semaphore(%run_scoped3A : memref<!tpu.dma_semaphore, #tpu.memory_space<semaphore_mem>>) src(%dma_wait3A_388 : memref<512xi32, #tpu.memory_space<hbm>>) dst(%arg7 : memref<512xi32, #tpu.memory_space<vmem>>)
      tpu.yield
    }) : () -> ()
    "tpu.region"() ({
      %run_scoped3A = tpu.sem_alloc : memref<!tpu.dma_semaphore, #tpu.memory_space<semaphore_mem>>
      %dma_start3A_385 = tpu.memref_slice %arg4[%mul3A_2] : memref<16384xi32, #tpu.memory_space<hbm>> -> memref<512xi32, #tpu.memory_space<hbm>>
      %dma_start3A_386 = tpu.memref_slice %arg4[%mul3A_2] : memref<16384xi32, #tpu.memory_space<hbm>> -> memref<512xi32, #tpu.memory_space<hbm>>
      tpu.enqueue_dma source(%dma_start3A_386 : memref<512xi32, #tpu.memory_space<hbm>>) target(%arg8 : memref<512xi32, #tpu.memory_space<vmem>>) target_semaphore(%run_scoped3A : memref<!tpu.dma_semaphore, #tpu.memory_space<semaphore_mem>>)
      %dma_wait3A_387 = tpu.memref_slice %arg4[%mul3A_2] : memref<16384xi32, #tpu.memory_space<hbm>> -> memref<512xi32, #tpu.memory_space<hbm>>
      %dma_wait3A_388 = tpu.memref_slice %arg4[%mul3A_2] : memref<16384xi32, #tpu.memory_space<hbm>> -> memref<512xi32, #tpu.memory_space<hbm>>
      tpu.wait_dma2 semaphore(%run_scoped3A : memref<!tpu.dma_semaphore, #tpu.memory_space<semaphore_mem>>) src(%dma_wait3A_388 : memref<512xi32, #tpu.memory_space<hbm>>) dst(%arg8 : memref<512xi32, #tpu.memory_space<vmem>>)
      tpu.yield
    }) : () -> ()
    %dma_start3A = arith.constant 0 : i32
    %dma_start3A_3 = arith.constant 0 : i32
    %dma_start3A_4 = arith.constant 0 : i32
    %dma_start3A_5 = tpu.memref_slice %arg9[%dma_start3A, %dma_start3A_3, %dma_start3A_4] : memref<3x128x128xf32, #tpu.memory_space<vmem>> -> memref<1x128x128xf32, #tpu.memory_space<vmem>>
    %dma_start3A_6 = tpu.memref_squeeze %dma_start3A_5 : memref<1x128x128xf32, #tpu.memory_space<vmem>> -> memref<128x128xf32, #tpu.memory_space<vmem>>
    %dma_start3A_7 = arith.constant 0 : i32
    %dma_start3A_8 = tpu.memref_slice %arg7[%dma_start3A_7] : memref<512xi32, #tpu.memory_space<vmem>> -> memref<128xi32, #tpu.memory_space<vmem>>
    %dma_start3A_9 = arith.constant 0 : i32
    %dma_start3A_10 = arith.constant 0 : i32
    %dma_start3A_11 = tpu.memref_slice %arg2[%dma_start3A_9, %dma_start3A_10] : memref<100000x128xf32, #tpu.memory_space<hbm>> -> memref<100000x128xf32, #tpu.memory_space<hbm>>
    tpu.enqueue_indirect_dma source(%dma_start3A_11 : memref<100000x128xf32, #tpu.memory_space<hbm>>) target(%dma_start3A_6 : memref<128x128xf32, #tpu.memory_space<vmem>>) offsets(%dma_start3A_8 : memref<128xi32, #tpu.memory_space<vmem>>) semaphore(%arg10 : memref<!tpu.dma_semaphore, #tpu.memory_space<semaphore_mem>>)
    %dma_start3A_12 = arith.constant 1 : i32
    %dma_start3A_13 = arith.constant 0 : i32
    %dma_start3A_14 = arith.constant 0 : i32
    %dma_start3A_15 = tpu.memref_slice %arg9[%dma_start3A_12, %dma_start3A_13, %dma_start3A_14] : memref<3x128x128xf32, #tpu.memory_space<vmem>> -> memref<1x128x128xf32, #tpu.memory_space<vmem>>
    %dma_start3A_16 = tpu.memref_squeeze %dma_start3A_15 : memref<1x128x128xf32, #tpu.memory_space<vmem>> -> memref<128x128xf32, #tpu.memory_space<vmem>>
    %dma_start3A_17 = arith.constant 0 : i32
    %dma_start3A_18 = tpu.memref_slice %arg8[%dma_start3A_17] : memref<512xi32, #tpu.memory_space<vmem>> -> memref<128xi32, #tpu.memory_space<vmem>>
    %dma_start3A_19 = arith.constant 0 : i32
    %dma_start3A_20 = arith.constant 0 : i32
    %dma_start3A_21 = tpu.memref_slice %arg2[%dma_start3A_19, %dma_start3A_20] : memref<100000x128xf32, #tpu.memory_space<hbm>> -> memref<100000x128xf32, #tpu.memory_space<hbm>>
    tpu.enqueue_indirect_dma source(%dma_start3A_21 : memref<100000x128xf32, #tpu.memory_space<hbm>>) target(%dma_start3A_16 : memref<128x128xf32, #tpu.memory_space<vmem>>) offsets(%dma_start3A_18 : memref<128xi32, #tpu.memory_space<vmem>>) semaphore(%arg11 : memref<!tpu.dma_semaphore, #tpu.memory_space<semaphore_mem>>)
    %dma_wait3A = arith.constant 0 : i32
    %dma_wait3A_22 = arith.constant 0 : i32
    %dma_wait3A_23 = arith.constant 0 : i32
    %dma_wait3A_24 = tpu.memref_slice %arg9[%dma_wait3A, %dma_wait3A_22, %dma_wait3A_23] : memref<3x128x128xf32, #tpu.memory_space<vmem>> -> memref<1x128x128xf32, #tpu.memory_space<vmem>>
    %dma_wait3A_25 = tpu.memref_squeeze %dma_wait3A_24 : memref<1x128x128xf32, #tpu.memory_space<vmem>> -> memref<128x128xf32, #tpu.memory_space<vmem>>
    %dma_wait3A_26 = arith.constant 0 : i32
    %dma_wait3A_27 = tpu.memref_slice %arg7[%dma_wait3A_26] : memref<512xi32, #tpu.memory_space<vmem>> -> memref<128xi32, #tpu.memory_space<vmem>>
    %dma_wait3A_28 = arith.constant 0 : i32
    %dma_wait3A_29 = arith.constant 0 : i32
    %dma_wait3A_30 = tpu.memref_slice %arg2[%dma_wait3A_28, %dma_wait3A_29] : memref<100000x128xf32, #tpu.memory_space<hbm>> -> memref<100000x128xf32, #tpu.memory_space<hbm>>
    tpu.wait_indirect_dma semaphore(%arg10 : memref<!tpu.dma_semaphore, #tpu.memory_space<semaphore_mem>>) src(%dma_wait3A_30 : memref<100000x128xf32, #tpu.memory_space<hbm>>) dst(%dma_wait3A_25 : memref<128x128xf32, #tpu.memory_space<vmem>>)
    %add3A_31 = arith.constant 0 : i32
    %add3A_32 = arith.addi %mul3A_2, %add3A_31 : i32
    %dma_start3A_33 = arith.constant 0 : i32
    %dma_start3A_34 = arith.constant 0 : i32
    %dma_start3A_35 = arith.constant 0 : i32
    %dma_start3A_36 = tpu.memref_slice %arg9[%dma_start3A_33, %dma_start3A_34, %dma_start3A_35] : memref<3x128x128xf32, #tpu.memory_space<vmem>> -> memref<1x128x128xf32, #tpu.memory_space<vmem>>
    %dma_start3A_37 = tpu.memref_squeeze %dma_start3A_36 : memref<1x128x128xf32, #tpu.memory_space<vmem>> -> memref<128x128xf32, #tpu.memory_space<vmem>>
    %dma_start3A_38 = arith.constant 0 : i32
    %dma_start3A_39 = tpu.memref_slice %arg5[%add3A_32, %dma_start3A_38] : memref<16384x128xf32, #tpu.memory_space<hbm>> -> memref<128x128xf32, #tpu.memory_space<hbm>>
    %dma_start3A_40 = arith.constant 0 : i32
    %dma_start3A_41 = tpu.memref_slice %arg5[%add3A_32, %dma_start3A_40] : memref<16384x128xf32, #tpu.memory_space<hbm>> -> memref<128x128xf32, #tpu.memory_space<hbm>>
    %dma_start3A_42 = arith.constant 0 : i32
    %dma_start3A_43 = arith.constant 0 : i32
    %dma_start3A_44 = tpu.memref_slice %arg9[%dma_start3A_33, %dma_start3A_42, %dma_start3A_43] : memref<3x128x128xf32, #tpu.memory_space<vmem>> -> memref<1x128x128xf32, #tpu.memory_space<vmem>>
    %dma_start3A_45 = tpu.memref_squeeze %dma_start3A_44 : memref<1x128x128xf32, #tpu.memory_space<vmem>> -> memref<128x128xf32, #tpu.memory_space<vmem>>
    tpu.enqueue_dma source(%dma_start3A_45 : memref<128x128xf32, #tpu.memory_space<vmem>>) target(%dma_start3A_41 : memref<128x128xf32, #tpu.memory_space<hbm>>) target_semaphore(%arg13 : memref<!tpu.dma_semaphore, #tpu.memory_space<semaphore_mem>>)
    %dma_start3A_46 = arith.constant 2 : i32
    %dma_start3A_47 = arith.constant 0 : i32
    %dma_start3A_48 = arith.constant 0 : i32
    %dma_start3A_49 = tpu.memref_slice %arg9[%dma_start3A_46, %dma_start3A_47, %dma_start3A_48] : memref<3x128x128xf32, #tpu.memory_space<vmem>> -> memref<1x128x128xf32, #tpu.memory_space<vmem>>
    %dma_start3A_50 = tpu.memref_squeeze %dma_start3A_49 : memref<1x128x128xf32, #tpu.memory_space<vmem>> -> memref<128x128xf32, #tpu.memory_space<vmem>>
    %dma_start3A_51 = arith.constant 128 : i32
    %dma_start3A_52 = tpu.memref_slice %arg7[%dma_start3A_51] : memref<512xi32, #tpu.memory_space<vmem>> -> memref<128xi32, #tpu.memory_space<vmem>>
    %dma_start3A_53 = arith.constant 0 : i32
    %dma_start3A_54 = arith.constant 0 : i32
    %dma_start3A_55 = tpu.memref_slice %arg2[%dma_start3A_53, %dma_start3A_54] : memref<100000x128xf32, #tpu.memory_space<hbm>> -> memref<100000x128xf32, #tpu.memory_space<hbm>>
    tpu.enqueue_indirect_dma source(%dma_start3A_55 : memref<100000x128xf32, #tpu.memory_space<hbm>>) target(%dma_start3A_50 : memref<128x128xf32, #tpu.memory_space<vmem>>) offsets(%dma_start3A_52 : memref<128xi32, #tpu.memory_space<vmem>>) semaphore(%arg12 : memref<!tpu.dma_semaphore, #tpu.memory_space<semaphore_mem>>)
    %dma_wait3A_56 = arith.constant 1 : i32
    %dma_wait3A_57 = arith.constant 0 : i32
    %dma_wait3A_58 = arith.constant 0 : i32
    %dma_wait3A_59 = tpu.memref_slice %arg9[%dma_wait3A_56, %dma_wait3A_57, %dma_wait3A_58] : memref<3x128x128xf32, #tpu.memory_space<vmem>> -> memref<1x128x128xf32, #tpu.memory_space<vmem>>
    %dma_wait3A_60 = tpu.memref_squeeze %dma_wait3A_59 : memref<1x128x128xf32, #tpu.memory_space<vmem>> -> memref<128x128xf32, #tpu.memory_space<vmem>>
    %dma_wait3A_61 = arith.constant 0 : i32
    %dma_wait3A_62 = tpu.memref_slice %arg8[%dma_wait3A_61] : memref<512xi32, #tpu.memory_space<vmem>> -> memref<128xi32, #tpu.memory_space<vmem>>
    %dma_wait3A_63 = arith.constant 0 : i32
    %dma_wait3A_64 = arith.constant 0 : i32
    %dma_wait3A_65 = tpu.memref_slice %arg2[%dma_wait3A_63, %dma_wait3A_64] : memref<100000x128xf32, #tpu.memory_space<hbm>> -> memref<100000x128xf32, #tpu.memory_space<hbm>>
    tpu.wait_indirect_dma semaphore(%arg11 : memref<!tpu.dma_semaphore, #tpu.memory_space<semaphore_mem>>) src(%dma_wait3A_65 : memref<100000x128xf32, #tpu.memory_space<hbm>>) dst(%dma_wait3A_60 : memref<128x128xf32, #tpu.memory_space<vmem>>)
    %add3A_66 = arith.constant 0 : i32
    %add3A_67 = arith.addi %mul3A_2, %add3A_66 : i32
    %dma_start3A_68 = arith.constant 1 : i32
    %dma_start3A_69 = arith.constant 0 : i32
    %dma_start3A_70 = arith.constant 0 : i32
    %dma_start3A_71 = tpu.memref_slice %arg9[%dma_start3A_68, %dma_start3A_69, %dma_start3A_70] : memref<3x128x128xf32, #tpu.memory_space<vmem>> -> memref<1x128x128xf32, #tpu.memory_space<vmem>>
    %dma_start3A_72 = tpu.memref_squeeze %dma_start3A_71 : memref<1x128x128xf32, #tpu.memory_space<vmem>> -> memref<128x128xf32, #tpu.memory_space<vmem>>
    %dma_start3A_73 = arith.constant 0 : i32
    %dma_start3A_74 = tpu.memref_slice %arg6[%add3A_67, %dma_start3A_73] : memref<16384x128xf32, #tpu.memory_space<hbm>> -> memref<128x128xf32, #tpu.memory_space<hbm>>
    %dma_start3A_75 = arith.constant 0 : i32
    %dma_start3A_76 = tpu.memref_slice %arg6[%add3A_67, %dma_start3A_75] : memref<16384x128xf32, #tpu.memory_space<hbm>> -> memref<128x128xf32, #tpu.memory_space<hbm>>
    %dma_start3A_77 = arith.constant 0 : i32
    %dma_start3A_78 = arith.constant 0 : i32
    %dma_start3A_79 = tpu.memref_slice %arg9[%dma_start3A_68, %dma_start3A_77, %dma_start3A_78] : memref<3x128x128xf32, #tpu.memory_space<vmem>> -> memref<1x128x128xf32, #tpu.memory_space<vmem>>
    %dma_start3A_80 = tpu.memref_squeeze %dma_start3A_79 : memref<1x128x128xf32, #tpu.memory_space<vmem>> -> memref<128x128xf32, #tpu.memory_space<vmem>>
    tpu.enqueue_dma source(%dma_start3A_80 : memref<128x128xf32, #tpu.memory_space<vmem>>) target(%dma_start3A_76 : memref<128x128xf32, #tpu.memory_space<hbm>>) target_semaphore(%arg14 : memref<!tpu.dma_semaphore, #tpu.memory_space<semaphore_mem>>)
    %dma_wait3A_81 = arith.constant 0 : i32
    %dma_wait3A_82 = arith.constant 0 : i32
    %dma_wait3A_83 = arith.constant 0 : i32
    %dma_wait3A_84 = tpu.memref_slice %arg9[%dma_wait3A_81, %dma_wait3A_82, %dma_wait3A_83] : memref<3x128x128xf32, #tpu.memory_space<vmem>> -> memref<1x128x128xf32, #tpu.memory_space<vmem>>
    %dma_wait3A_85 = tpu.memref_squeeze %dma_wait3A_84 : memref<1x128x128xf32, #tpu.memory_space<vmem>> -> memref<128x128xf32, #tpu.memory_space<vmem>>
    %dma_wait3A_86 = arith.constant 0 : i32
    %dma_wait3A_87 = tpu.memref_slice %arg5[%add3A_32, %dma_wait3A_86] : memref<16384x128xf32, #tpu.memory_space<hbm>> -> memref<128x128xf32, #tpu.memory_space<hbm>>
    %dma_wait3A_88 = arith.constant 0 : i32
    %dma_wait3A_89 = tpu.memref_slice %arg5[%add3A_32, %dma_wait3A_88] : memref<16384x128xf32, #tpu.memory_space<hbm>> -> memref<128x128xf32, #tpu.memory_space<hbm>>
    %dma_wait3A_90 = arith.constant 0 : i32
    %dma_wait3A_91 = arith.constant 0 : i32
    %dma_wait3A_92 = tpu.memref_slice %arg9[%dma_wait3A_81, %dma_wait3A_90, %dma_wait3A_91] : memref<3x128x128xf32, #tpu.memory_space<vmem>> -> memref<1x128x128xf32, #tpu.memory_space<vmem>>
    %dma_wait3A_93 = tpu.memref_squeeze %dma_wait3A_92 : memref<1x128x128xf32, #tpu.memory_space<vmem>> -> memref<128x128xf32, #tpu.memory_space<vmem>>
    tpu.wait_dma2 semaphore(%arg13 : memref<!tpu.dma_semaphore, #tpu.memory_space<semaphore_mem>>) src(%dma_wait3A_93 : memref<128x128xf32, #tpu.memory_space<vmem>>) dst(%dma_wait3A_89 : memref<128x128xf32, #tpu.memory_space<hbm>>)
    %dma_start3A_94 = arith.constant 0 : i32
    %dma_start3A_95 = arith.constant 0 : i32
    %dma_start3A_96 = arith.constant 0 : i32
    %dma_start3A_97 = tpu.memref_slice %arg9[%dma_start3A_94, %dma_start3A_95, %dma_start3A_96] : memref<3x128x128xf32, #tpu.memory_space<vmem>> -> memref<1x128x128xf32, #tpu.memory_space<vmem>>
    %dma_start3A_98 = tpu.memref_squeeze %dma_start3A_97 : memref<1x128x128xf32, #tpu.memory_space<vmem>> -> memref<128x128xf32, #tpu.memory_space<vmem>>
    %dma_start3A_99 = arith.constant 128 : i32
    %dma_start3A_100 = tpu.memref_slice %arg8[%dma_start3A_99] : memref<512xi32, #tpu.memory_space<vmem>> -> memref<128xi32, #tpu.memory_space<vmem>>
    %dma_start3A_101 = arith.constant 0 : i32
    %dma_start3A_102 = arith.constant 0 : i32
    %dma_start3A_103 = tpu.memref_slice %arg2[%dma_start3A_101, %dma_start3A_102] : memref<100000x128xf32, #tpu.memory_space<hbm>> -> memref<100000x128xf32, #tpu.memory_space<hbm>>
    tpu.enqueue_indirect_dma source(%dma_start3A_103 : memref<100000x128xf32, #tpu.memory_space<hbm>>) target(%dma_start3A_98 : memref<128x128xf32, #tpu.memory_space<vmem>>) offsets(%dma_start3A_100 : memref<128xi32, #tpu.memory_space<vmem>>) semaphore(%arg10 : memref<!tpu.dma_semaphore, #tpu.memory_space<semaphore_mem>>)
    %dma_wait3A_104 = arith.constant 2 : i32
    %dma_wait3A_105 = arith.constant 0 : i32
    %dma_wait3A_106 = arith.constant 0 : i32
    %dma_wait3A_107 = tpu.memref_slice %arg9[%dma_wait3A_104, %dma_wait3A_105, %dma_wait3A_106] : memref<3x128x128xf32, #tpu.memory_space<vmem>> -> memref<1x128x128xf32, #tpu.memory_space<vmem>>
    %dma_wait3A_108 = tpu.memref_squeeze %dma_wait3A_107 : memref<1x128x128xf32, #tpu.memory_space<vmem>> -> memref<128x128xf32, #tpu.memory_space<vmem>>
    %dma_wait3A_109 = arith.constant 128 : i32
    %dma_wait3A_110 = tpu.memref_slice %arg7[%dma_wait3A_109] : memref<512xi32, #tpu.memory_space<vmem>> -> memref<128xi32, #tpu.memory_space<vmem>>
    %dma_wait3A_111 = arith.constant 0 : i32
    %dma_wait3A_112 = arith.constant 0 : i32
    %dma_wait3A_113 = tpu.memref_slice %arg2[%dma_wait3A_111, %dma_wait3A_112] : memref<100000x128xf32, #tpu.memory_space<hbm>> -> memref<100000x128xf32, #tpu.memory_space<hbm>>
    tpu.wait_indirect_dma semaphore(%arg12 : memref<!tpu.dma_semaphore, #tpu.memory_space<semaphore_mem>>) src(%dma_wait3A_113 : memref<100000x128xf32, #tpu.memory_space<hbm>>) dst(%dma_wait3A_108 : memref<128x128xf32, #tpu.memory_space<vmem>>)
    %add3A_114 = arith.constant 128 : i32
    %add3A_115 = arith.addi %mul3A_2, %add3A_114 : i32
    %dma_start3A_116 = arith.constant 2 : i32
    %dma_start3A_117 = arith.constant 0 : i32
    %dma_start3A_118 = arith.constant 0 : i32
    %dma_start3A_119 = tpu.memref_slice %arg9[%dma_start3A_116, %dma_start3A_117, %dma_start3A_118] : memref<3x128x128xf32, #tpu.memory_space<vmem>> -> memref<1x128x128xf32, #tpu.memory_space<vmem>>
    %dma_start3A_120 = tpu.memref_squeeze %dma_start3A_119 : memref<1x128x128xf32, #tpu.memory_space<vmem>> -> memref<128x128xf32, #tpu.memory_space<vmem>>
    %dma_start3A_121 = arith.constant 0 : i32
    %dma_start3A_122 = tpu.memref_slice %arg5[%add3A_115, %dma_start3A_121] : memref<16384x128xf32, #tpu.memory_space<hbm>> -> memref<128x128xf32, #tpu.memory_space<hbm>>
    %dma_start3A_123 = arith.constant 0 : i32
    %dma_start3A_124 = tpu.memref_slice %arg5[%add3A_115, %dma_start3A_123] : memref<16384x128xf32, #tpu.memory_space<hbm>> -> memref<128x128xf32, #tpu.memory_space<hbm>>
    %dma_start3A_125 = arith.constant 0 : i32
    %dma_start3A_126 = arith.constant 0 : i32
    %dma_start3A_127 = tpu.memref_slice %arg9[%dma_start3A_116, %dma_start3A_125, %dma_start3A_126] : memref<3x128x128xf32, #tpu.memory_space<vmem>> -> memref<1x128x128xf32, #tpu.memory_space<vmem>>
    %dma_start3A_128 = tpu.memref_squeeze %dma_start3A_127 : memref<1x128x128xf32, #tpu.memory_space<vmem>> -> memref<128x128xf32, #tpu.memory_space<vmem>>
    tpu.enqueue_dma source(%dma_start3A_128 : memref<128x128xf32, #tpu.memory_space<vmem>>) target(%dma_start3A_124 : memref<128x128xf32, #tpu.memory_space<hbm>>) target_semaphore(%arg15 : memref<!tpu.dma_semaphore, #tpu.memory_space<semaphore_mem>>)
    %dma_wait3A_129 = arith.constant 1 : i32
    %dma_wait3A_130 = arith.constant 0 : i32
    %dma_wait3A_131 = arith.constant 0 : i32
    %dma_wait3A_132 = tpu.memref_slice %arg9[%dma_wait3A_129, %dma_wait3A_130, %dma_wait3A_131] : memref<3x128x128xf32, #tpu.memory_space<vmem>> -> memref<1x128x128xf32, #tpu.memory_space<vmem>>
    %dma_wait3A_133 = tpu.memref_squeeze %dma_wait3A_132 : memref<1x128x128xf32, #tpu.memory_space<vmem>> -> memref<128x128xf32, #tpu.memory_space<vmem>>
    %dma_wait3A_134 = arith.constant 0 : i32
    %dma_wait3A_135 = tpu.memref_slice %arg6[%add3A_67, %dma_wait3A_134] : memref<16384x128xf32, #tpu.memory_space<hbm>> -> memref<128x128xf32, #tpu.memory_space<hbm>>
    %dma_wait3A_136 = arith.constant 0 : i32
    %dma_wait3A_137 = tpu.memref_slice %arg6[%add3A_67, %dma_wait3A_136] : memref<16384x128xf32, #tpu.memory_space<hbm>> -> memref<128x128xf32, #tpu.memory_space<hbm>>
    %dma_wait3A_138 = arith.constant 0 : i32
    %dma_wait3A_139 = arith.constant 0 : i32
    %dma_wait3A_140 = tpu.memref_slice %arg9[%dma_wait3A_129, %dma_wait3A_138, %dma_wait3A_139] : memref<3x128x128xf32, #tpu.memory_space<vmem>> -> memref<1x128x128xf32, #tpu.memory_space<vmem>>
    %dma_wait3A_141 = tpu.memref_squeeze %dma_wait3A_140 : memref<1x128x128xf32, #tpu.memory_space<vmem>> -> memref<128x128xf32, #tpu.memory_space<vmem>>
    tpu.wait_dma2 semaphore(%arg14 : memref<!tpu.dma_semaphore, #tpu.memory_space<semaphore_mem>>) src(%dma_wait3A_141 : memref<128x128xf32, #tpu.memory_space<vmem>>) dst(%dma_wait3A_137 : memref<128x128xf32, #tpu.memory_space<hbm>>)
    %dma_start3A_142 = arith.constant 1 : i32
    %dma_start3A_143 = arith.constant 0 : i32
    %dma_start3A_144 = arith.constant 0 : i32
    %dma_start3A_145 = tpu.memref_slice %arg9[%dma_start3A_142, %dma_start3A_143, %dma_start3A_144] : memref<3x128x128xf32, #tpu.memory_space<vmem>> -> memref<1x128x128xf32, #tpu.memory_space<vmem>>
    %dma_start3A_146 = tpu.memref_squeeze %dma_start3A_145 : memref<1x128x128xf32, #tpu.memory_space<vmem>> -> memref<128x128xf32, #tpu.memory_space<vmem>>
    %dma_start3A_147 = arith.constant 256 : i32
    %dma_start3A_148 = tpu.memref_slice %arg7[%dma_start3A_147] : memref<512xi32, #tpu.memory_space<vmem>> -> memref<128xi32, #tpu.memory_space<vmem>>
    %dma_start3A_149 = arith.constant 0 : i32
    %dma_start3A_150 = arith.constant 0 : i32
    %dma_start3A_151 = tpu.memref_slice %arg2[%dma_start3A_149, %dma_start3A_150] : memref<100000x128xf32, #tpu.memory_space<hbm>> -> memref<100000x128xf32, #tpu.memory_space<hbm>>
    tpu.enqueue_indirect_dma source(%dma_start3A_151 : memref<100000x128xf32, #tpu.memory_space<hbm>>) target(%dma_start3A_146 : memref<128x128xf32, #tpu.memory_space<vmem>>) offsets(%dma_start3A_148 : memref<128xi32, #tpu.memory_space<vmem>>) semaphore(%arg11 : memref<!tpu.dma_semaphore, #tpu.memory_space<semaphore_mem>>)
    %dma_wait3A_152 = arith.constant 0 : i32
    %dma_wait3A_153 = arith.constant 0 : i32
    %dma_wait3A_154 = arith.constant 0 : i32
    %dma_wait3A_155 = tpu.memref_slice %arg9[%dma_wait3A_152, %dma_wait3A_153, %dma_wait3A_154] : memref<3x128x128xf32, #tpu.memory_space<vmem>> -> memref<1x128x128xf32, #tpu.memory_space<vmem>>
    %dma_wait3A_156 = tpu.memref_squeeze %dma_wait3A_155 : memref<1x128x128xf32, #tpu.memory_space<vmem>> -> memref<128x128xf32, #tpu.memory_space<vmem>>
    %dma_wait3A_157 = arith.constant 128 : i32
    %dma_wait3A_158 = tpu.memref_slice %arg8[%dma_wait3A_157] : memref<512xi32, #tpu.memory_space<vmem>> -> memref<128xi32, #tpu.memory_space<vmem>>
    %dma_wait3A_159 = arith.constant 0 : i32
    %dma_wait3A_160 = arith.constant 0 : i32
    %dma_wait3A_161 = tpu.memref_slice %arg2[%dma_wait3A_159, %dma_wait3A_160] : memref<100000x128xf32, #tpu.memory_space<hbm>> -> memref<100000x128xf32, #tpu.memory_space<hbm>>
    tpu.wait_indirect_dma semaphore(%arg10 : memref<!tpu.dma_semaphore, #tpu.memory_space<semaphore_mem>>) src(%dma_wait3A_161 : memref<100000x128xf32, #tpu.memory_space<hbm>>) dst(%dma_wait3A_156 : memref<128x128xf32, #tpu.memory_space<vmem>>)
    %add3A_162 = arith.constant 128 : i32
    %add3A_163 = arith.addi %mul3A_2, %add3A_162 : i32
    %dma_start3A_164 = arith.constant 0 : i32
    %dma_start3A_165 = arith.constant 0 : i32
    %dma_start3A_166 = arith.constant 0 : i32
    %dma_start3A_167 = tpu.memref_slice %arg9[%dma_start3A_164, %dma_start3A_165, %dma_start3A_166] : memref<3x128x128xf32, #tpu.memory_space<vmem>> -> memref<1x128x128xf32, #tpu.memory_space<vmem>>
    %dma_start3A_168 = tpu.memref_squeeze %dma_start3A_167 : memref<1x128x128xf32, #tpu.memory_space<vmem>> -> memref<128x128xf32, #tpu.memory_space<vmem>>
    %dma_start3A_169 = arith.constant 0 : i32
    %dma_start3A_170 = tpu.memref_slice %arg6[%add3A_163, %dma_start3A_169] : memref<16384x128xf32, #tpu.memory_space<hbm>> -> memref<128x128xf32, #tpu.memory_space<hbm>>
    %dma_start3A_171 = arith.constant 0 : i32
    %dma_start3A_172 = tpu.memref_slice %arg6[%add3A_163, %dma_start3A_171] : memref<16384x128xf32, #tpu.memory_space<hbm>> -> memref<128x128xf32, #tpu.memory_space<hbm>>
    %dma_start3A_173 = arith.constant 0 : i32
    %dma_start3A_174 = arith.constant 0 : i32
    %dma_start3A_175 = tpu.memref_slice %arg9[%dma_start3A_164, %dma_start3A_173, %dma_start3A_174] : memref<3x128x128xf32, #tpu.memory_space<vmem>> -> memref<1x128x128xf32, #tpu.memory_space<vmem>>
    %dma_start3A_176 = tpu.memref_squeeze %dma_start3A_175 : memref<1x128x128xf32, #tpu.memory_space<vmem>> -> memref<128x128xf32, #tpu.memory_space<vmem>>
    tpu.enqueue_dma source(%dma_start3A_176 : memref<128x128xf32, #tpu.memory_space<vmem>>) target(%dma_start3A_172 : memref<128x128xf32, #tpu.memory_space<hbm>>) target_semaphore(%arg13 : memref<!tpu.dma_semaphore, #tpu.memory_space<semaphore_mem>>)
    %dma_wait3A_177 = arith.constant 2 : i32
    %dma_wait3A_178 = arith.constant 0 : i32
    %dma_wait3A_179 = arith.constant 0 : i32
    %dma_wait3A_180 = tpu.memref_slice %arg9[%dma_wait3A_177, %dma_wait3A_178, %dma_wait3A_179] : memref<3x128x128xf32, #tpu.memory_space<vmem>> -> memref<1x128x128xf32, #tpu.memory_space<vmem>>
    %dma_wait3A_181 = tpu.memref_squeeze %dma_wait3A_180 : memref<1x128x128xf32, #tpu.memory_space<vmem>> -> memref<128x128xf32, #tpu.memory_space<vmem>>
    %dma_wait3A_182 = arith.constant 0 : i32
    %dma_wait3A_183 = tpu.memref_slice %arg5[%add3A_115, %dma_wait3A_182] : memref<16384x128xf32, #tpu.memory_space<hbm>> -> memref<128x128xf32, #tpu.memory_space<hbm>>
    %dma_wait3A_184 = arith.constant 0 : i32
    %dma_wait3A_185 = tpu.memref_slice %arg5[%add3A_115, %dma_wait3A_184] : memref<16384x128xf32, #tpu.memory_space<hbm>> -> memref<128x128xf32, #tpu.memory_space<hbm>>
    %dma_wait3A_186 = arith.constant 0 : i32
    %dma_wait3A_187 = arith.constant 0 : i32
    %dma_wait3A_188 = tpu.memref_slice %arg9[%dma_wait3A_177, %dma_wait3A_186, %dma_wait3A_187] : memref<3x128x128xf32, #tpu.memory_space<vmem>> -> memref<1x128x128xf32, #tpu.memory_space<vmem>>
    %dma_wait3A_189 = tpu.memref_squeeze %dma_wait3A_188 : memref<1x128x128xf32, #tpu.memory_space<vmem>> -> memref<128x128xf32, #tpu.memory_space<vmem>>
    tpu.wait_dma2 semaphore(%arg15 : memref<!tpu.dma_semaphore, #tpu.memory_space<semaphore_mem>>) src(%dma_wait3A_189 : memref<128x128xf32, #tpu.memory_space<vmem>>) dst(%dma_wait3A_185 : memref<128x128xf32, #tpu.memory_space<hbm>>)
    %dma_start3A_190 = arith.constant 2 : i32
    %dma_start3A_191 = arith.constant 0 : i32
    %dma_start3A_192 = arith.constant 0 : i32
    %dma_start3A_193 = tpu.memref_slice %arg9[%dma_start3A_190, %dma_start3A_191, %dma_start3A_192] : memref<3x128x128xf32, #tpu.memory_space<vmem>> -> memref<1x128x128xf32, #tpu.memory_space<vmem>>
    %dma_start3A_194 = tpu.memref_squeeze %dma_start3A_193 : memref<1x128x128xf32, #tpu.memory_space<vmem>> -> memref<128x128xf32, #tpu.memory_space<vmem>>
    %dma_start3A_195 = arith.constant 256 : i32
    %dma_start3A_196 = tpu.memref_slice %arg8[%dma_start3A_195] : memref<512xi32, #tpu.memory_space<vmem>> -> memref<128xi32, #tpu.memory_space<vmem>>
    %dma_start3A_197 = arith.constant 0 : i32
    %dma_start3A_198 = arith.constant 0 : i32
    %dma_start3A_199 = tpu.memref_slice %arg2[%dma_start3A_197, %dma_start3A_198] : memref<100000x128xf32, #tpu.memory_space<hbm>> -> memref<100000x128xf32, #tpu.memory_space<hbm>>
    tpu.enqueue_indirect_dma source(%dma_start3A_199 : memref<100000x128xf32, #tpu.memory_space<hbm>>) target(%dma_start3A_194 : memref<128x128xf32, #tpu.memory_space<vmem>>) offsets(%dma_start3A_196 : memref<128xi32, #tpu.memory_space<vmem>>) semaphore(%arg12 : memref<!tpu.dma_semaphore, #tpu.memory_space<semaphore_mem>>)
    %dma_wait3A_200 = arith.constant 1 : i32
    %dma_wait3A_201 = arith.constant 0 : i32
    %dma_wait3A_202 = arith.constant 0 : i32
    %dma_wait3A_203 = tpu.memref_slice %arg9[%dma_wait3A_200, %dma_wait3A_201, %dma_wait3A_202] : memref<3x128x128xf32, #tpu.memory_space<vmem>> -> memref<1x128x128xf32, #tpu.memory_space<vmem>>
    %dma_wait3A_204 = tpu.memref_squeeze %dma_wait3A_203 : memref<1x128x128xf32, #tpu.memory_space<vmem>> -> memref<128x128xf32, #tpu.memory_space<vmem>>
    %dma_wait3A_205 = arith.constant 256 : i32
    %dma_wait3A_206 = tpu.memref_slice %arg7[%dma_wait3A_205] : memref<512xi32, #tpu.memory_space<vmem>> -> memref<128xi32, #tpu.memory_space<vmem>>
    %dma_wait3A_207 = arith.constant 0 : i32
    %dma_wait3A_208 = arith.constant 0 : i32
    %dma_wait3A_209 = tpu.memref_slice %arg2[%dma_wait3A_207, %dma_wait3A_208] : memref<100000x128xf32, #tpu.memory_space<hbm>> -> memref<100000x128xf32, #tpu.memory_space<hbm>>
    tpu.wait_indirect_dma semaphore(%arg11 : memref<!tpu.dma_semaphore, #tpu.memory_space<semaphore_mem>>) src(%dma_wait3A_209 : memref<100000x128xf32, #tpu.memory_space<hbm>>) dst(%dma_wait3A_204 : memref<128x128xf32, #tpu.memory_space<vmem>>)
    %add3A_210 = arith.constant 256 : i32
    %add3A_211 = arith.addi %mul3A_2, %add3A_210 : i32
    %dma_start3A_212 = arith.constant 1 : i32
    %dma_start3A_213 = arith.constant 0 : i32
    %dma_start3A_214 = arith.constant 0 : i32
    %dma_start3A_215 = tpu.memref_slice %arg9[%dma_start3A_212, %dma_start3A_213, %dma_start3A_214] : memref<3x128x128xf32, #tpu.memory_space<vmem>> -> memref<1x128x128xf32, #tpu.memory_space<vmem>>
    %dma_start3A_216 = tpu.memref_squeeze %dma_start3A_215 : memref<1x128x128xf32, #tpu.memory_space<vmem>> -> memref<128x128xf32, #tpu.memory_space<vmem>>
    %dma_start3A_217 = arith.constant 0 : i32
    %dma_start3A_218 = tpu.memref_slice %arg5[%add3A_211, %dma_start3A_217] : memref<16384x128xf32, #tpu.memory_space<hbm>> -> memref<128x128xf32, #tpu.memory_space<hbm>>
    %dma_start3A_219 = arith.constant 0 : i32
    %dma_start3A_220 = tpu.memref_slice %arg5[%add3A_211, %dma_start3A_219] : memref<16384x128xf32, #tpu.memory_space<hbm>> -> memref<128x128xf32, #tpu.memory_space<hbm>>
    %dma_start3A_221 = arith.constant 0 : i32
    %dma_start3A_222 = arith.constant 0 : i32
    %dma_start3A_223 = tpu.memref_slice %arg9[%dma_start3A_212, %dma_start3A_221, %dma_start3A_222] : memref<3x128x128xf32, #tpu.memory_space<vmem>> -> memref<1x128x128xf32, #tpu.memory_space<vmem>>
    %dma_start3A_224 = tpu.memref_squeeze %dma_start3A_223 : memref<1x128x128xf32, #tpu.memory_space<vmem>> -> memref<128x128xf32, #tpu.memory_space<vmem>>
    tpu.enqueue_dma source(%dma_start3A_224 : memref<128x128xf32, #tpu.memory_space<vmem>>) target(%dma_start3A_220 : memref<128x128xf32, #tpu.memory_space<hbm>>) target_semaphore(%arg14 : memref<!tpu.dma_semaphore, #tpu.memory_space<semaphore_mem>>)
    %dma_wait3A_225 = arith.constant 0 : i32
    %dma_wait3A_226 = arith.constant 0 : i32
    %dma_wait3A_227 = arith.constant 0 : i32
    %dma_wait3A_228 = tpu.memref_slice %arg9[%dma_wait3A_225, %dma_wait3A_226, %dma_wait3A_227] : memref<3x128x128xf32, #tpu.memory_space<vmem>> -> memref<1x128x128xf32, #tpu.memory_space<vmem>>
    %dma_wait3A_229 = tpu.memref_squeeze %dma_wait3A_228 : memref<1x128x128xf32, #tpu.memory_space<vmem>> -> memref<128x128xf32, #tpu.memory_space<vmem>>
    %dma_wait3A_230 = arith.constant 0 : i32
    %dma_wait3A_231 = tpu.memref_slice %arg6[%add3A_163, %dma_wait3A_230] : memref<16384x128xf32, #tpu.memory_space<hbm>> -> memref<128x128xf32, #tpu.memory_space<hbm>>
    %dma_wait3A_232 = arith.constant 0 : i32
    %dma_wait3A_233 = tpu.memref_slice %arg6[%add3A_163, %dma_wait3A_232] : memref<16384x128xf32, #tpu.memory_space<hbm>> -> memref<128x128xf32, #tpu.memory_space<hbm>>
    %dma_wait3A_234 = arith.constant 0 : i32
    %dma_wait3A_235 = arith.constant 0 : i32
    %dma_wait3A_236 = tpu.memref_slice %arg9[%dma_wait3A_225, %dma_wait3A_234, %dma_wait3A_235] : memref<3x128x128xf32, #tpu.memory_space<vmem>> -> memref<1x128x128xf32, #tpu.memory_space<vmem>>
    %dma_wait3A_237 = tpu.memref_squeeze %dma_wait3A_236 : memref<1x128x128xf32, #tpu.memory_space<vmem>> -> memref<128x128xf32, #tpu.memory_space<vmem>>
    tpu.wait_dma2 semaphore(%arg13 : memref<!tpu.dma_semaphore, #tpu.memory_space<semaphore_mem>>) src(%dma_wait3A_237 : memref<128x128xf32, #tpu.memory_space<vmem>>) dst(%dma_wait3A_233 : memref<128x128xf32, #tpu.memory_space<hbm>>)
    %dma_start3A_238 = arith.constant 0 : i32
    %dma_start3A_239 = arith.constant 0 : i32
    %dma_start3A_240 = arith.constant 0 : i32
    %dma_start3A_241 = tpu.memref_slice %arg9[%dma_start3A_238, %dma_start3A_239, %dma_start3A_240] : memref<3x128x128xf32, #tpu.memory_space<vmem>> -> memref<1x128x128xf32, #tpu.memory_space<vmem>>
    %dma_start3A_242 = tpu.memref_squeeze %dma_start3A_241 : memref<1x128x128xf32, #tpu.memory_space<vmem>> -> memref<128x128xf32, #tpu.memory_space<vmem>>
    %dma_start3A_243 = arith.constant 384 : i32
    %dma_start3A_244 = tpu.memref_slice %arg7[%dma_start3A_243] : memref<512xi32, #tpu.memory_space<vmem>> -> memref<128xi32, #tpu.memory_space<vmem>>
    %dma_start3A_245 = arith.constant 0 : i32
    %dma_start3A_246 = arith.constant 0 : i32
    %dma_start3A_247 = tpu.memref_slice %arg2[%dma_start3A_245, %dma_start3A_246] : memref<100000x128xf32, #tpu.memory_space<hbm>> -> memref<100000x128xf32, #tpu.memory_space<hbm>>
    tpu.enqueue_indirect_dma source(%dma_start3A_247 : memref<100000x128xf32, #tpu.memory_space<hbm>>) target(%dma_start3A_242 : memref<128x128xf32, #tpu.memory_space<vmem>>) offsets(%dma_start3A_244 : memref<128xi32, #tpu.memory_space<vmem>>) semaphore(%arg10 : memref<!tpu.dma_semaphore, #tpu.memory_space<semaphore_mem>>)
    %dma_wait3A_248 = arith.constant 2 : i32
    %dma_wait3A_249 = arith.constant 0 : i32
    %dma_wait3A_250 = arith.constant 0 : i32
    %dma_wait3A_251 = tpu.memref_slice %arg9[%dma_wait3A_248, %dma_wait3A_249, %dma_wait3A_250] : memref<3x128x128xf32, #tpu.memory_space<vmem>> -> memref<1x128x128xf32, #tpu.memory_space<vmem>>
    %dma_wait3A_252 = tpu.memref_squeeze %dma_wait3A_251 : memref<1x128x128xf32, #tpu.memory_space<vmem>> -> memref<128x128xf32, #tpu.memory_space<vmem>>
    %dma_wait3A_253 = arith.constant 256 : i32
    %dma_wait3A_254 = tpu.memref_slice %arg8[%dma_wait3A_253] : memref<512xi32, #tpu.memory_space<vmem>> -> memref<128xi32, #tpu.memory_space<vmem>>
    %dma_wait3A_255 = arith.constant 0 : i32
    %dma_wait3A_256 = arith.constant 0 : i32
    %dma_wait3A_257 = tpu.memref_slice %arg2[%dma_wait3A_255, %dma_wait3A_256] : memref<100000x128xf32, #tpu.memory_space<hbm>> -> memref<100000x128xf32, #tpu.memory_space<hbm>>
    tpu.wait_indirect_dma semaphore(%arg12 : memref<!tpu.dma_semaphore, #tpu.memory_space<semaphore_mem>>) src(%dma_wait3A_257 : memref<100000x128xf32, #tpu.memory_space<hbm>>) dst(%dma_wait3A_252 : memref<128x128xf32, #tpu.memory_space<vmem>>)
    %add3A_258 = arith.constant 256 : i32
    %add3A_259 = arith.addi %mul3A_2, %add3A_258 : i32
    %dma_start3A_260 = arith.constant 2 : i32
    %dma_start3A_261 = arith.constant 0 : i32
    %dma_start3A_262 = arith.constant 0 : i32
    %dma_start3A_263 = tpu.memref_slice %arg9[%dma_start3A_260, %dma_start3A_261, %dma_start3A_262] : memref<3x128x128xf32, #tpu.memory_space<vmem>> -> memref<1x128x128xf32, #tpu.memory_space<vmem>>
    %dma_start3A_264 = tpu.memref_squeeze %dma_start3A_263 : memref<1x128x128xf32, #tpu.memory_space<vmem>> -> memref<128x128xf32, #tpu.memory_space<vmem>>
    %dma_start3A_265 = arith.constant 0 : i32
    %dma_start3A_266 = tpu.memref_slice %arg6[%add3A_259, %dma_start3A_265] : memref<16384x128xf32, #tpu.memory_space<hbm>> -> memref<128x128xf32, #tpu.memory_space<hbm>>
    %dma_start3A_267 = arith.constant 0 : i32
    %dma_start3A_268 = tpu.memref_slice %arg6[%add3A_259, %dma_start3A_267] : memref<16384x128xf32, #tpu.memory_space<hbm>> -> memref<128x128xf32, #tpu.memory_space<hbm>>
    %dma_start3A_269 = arith.constant 0 : i32
    %dma_start3A_270 = arith.constant 0 : i32
    %dma_start3A_271 = tpu.memref_slice %arg9[%dma_start3A_260, %dma_start3A_269, %dma_start3A_270] : memref<3x128x128xf32, #tpu.memory_space<vmem>> -> memref<1x128x128xf32, #tpu.memory_space<vmem>>
    %dma_start3A_272 = tpu.memref_squeeze %dma_start3A_271 : memref<1x128x128xf32, #tpu.memory_space<vmem>> -> memref<128x128xf32, #tpu.memory_space<vmem>>
    tpu.enqueue_dma source(%dma_start3A_272 : memref<128x128xf32, #tpu.memory_space<vmem>>) target(%dma_start3A_268 : memref<128x128xf32, #tpu.memory_space<hbm>>) target_semaphore(%arg15 : memref<!tpu.dma_semaphore, #tpu.memory_space<semaphore_mem>>)
    %dma_wait3A_273 = arith.constant 1 : i32
    %dma_wait3A_274 = arith.constant 0 : i32
    %dma_wait3A_275 = arith.constant 0 : i32
    %dma_wait3A_276 = tpu.memref_slice %arg9[%dma_wait3A_273, %dma_wait3A_274, %dma_wait3A_275] : memref<3x128x128xf32, #tpu.memory_space<vmem>> -> memref<1x128x128xf32, #tpu.memory_space<vmem>>
    %dma_wait3A_277 = tpu.memref_squeeze %dma_wait3A_276 : memref<1x128x128xf32, #tpu.memory_space<vmem>> -> memref<128x128xf32, #tpu.memory_space<vmem>>
    %dma_wait3A_278 = arith.constant 0 : i32
    %dma_wait3A_279 = tpu.memref_slice %arg5[%add3A_211, %dma_wait3A_278] : memref<16384x128xf32, #tpu.memory_space<hbm>> -> memref<128x128xf32, #tpu.memory_space<hbm>>
    %dma_wait3A_280 = arith.constant 0 : i32
    %dma_wait3A_281 = tpu.memref_slice %arg5[%add3A_211, %dma_wait3A_280] : memref<16384x128xf32, #tpu.memory_space<hbm>> -> memref<128x128xf32, #tpu.memory_space<hbm>>
    %dma_wait3A_282 = arith.constant 0 : i32
    %dma_wait3A_283 = arith.constant 0 : i32
    %dma_wait3A_284 = tpu.memref_slice %arg9[%dma_wait3A_273, %dma_wait3A_282, %dma_wait3A_283] : memref<3x128x128xf32, #tpu.memory_space<vmem>> -> memref<1x128x128xf32, #tpu.memory_space<vmem>>
    %dma_wait3A_285 = tpu.memref_squeeze %dma_wait3A_284 : memref<1x128x128xf32, #tpu.memory_space<vmem>> -> memref<128x128xf32, #tpu.memory_space<vmem>>
    tpu.wait_dma2 semaphore(%arg14 : memref<!tpu.dma_semaphore, #tpu.memory_space<semaphore_mem>>) src(%dma_wait3A_285 : memref<128x128xf32, #tpu.memory_space<vmem>>) dst(%dma_wait3A_281 : memref<128x128xf32, #tpu.memory_space<hbm>>)
    %dma_start3A_286 = arith.constant 1 : i32
    %dma_start3A_287 = arith.constant 0 : i32
    %dma_start3A_288 = arith.constant 0 : i32
    %dma_start3A_289 = tpu.memref_slice %arg9[%dma_start3A_286, %dma_start3A_287, %dma_start3A_288] : memref<3x128x128xf32, #tpu.memory_space<vmem>> -> memref<1x128x128xf32, #tpu.memory_space<vmem>>
    %dma_start3A_290 = tpu.memref_squeeze %dma_start3A_289 : memref<1x128x128xf32, #tpu.memory_space<vmem>> -> memref<128x128xf32, #tpu.memory_space<vmem>>
    %dma_start3A_291 = arith.constant 384 : i32
    %dma_start3A_292 = tpu.memref_slice %arg8[%dma_start3A_291] : memref<512xi32, #tpu.memory_space<vmem>> -> memref<128xi32, #tpu.memory_space<vmem>>
    %dma_start3A_293 = arith.constant 0 : i32
    %dma_start3A_294 = arith.constant 0 : i32
    %dma_start3A_295 = tpu.memref_slice %arg2[%dma_start3A_293, %dma_start3A_294] : memref<100000x128xf32, #tpu.memory_space<hbm>> -> memref<100000x128xf32, #tpu.memory_space<hbm>>
    tpu.enqueue_indirect_dma source(%dma_start3A_295 : memref<100000x128xf32, #tpu.memory_space<hbm>>) target(%dma_start3A_290 : memref<128x128xf32, #tpu.memory_space<vmem>>) offsets(%dma_start3A_292 : memref<128xi32, #tpu.memory_space<vmem>>) semaphore(%arg11 : memref<!tpu.dma_semaphore, #tpu.memory_space<semaphore_mem>>)
    %dma_wait3A_296 = arith.constant 0 : i32
    %dma_wait3A_297 = arith.constant 0 : i32
    %dma_wait3A_298 = arith.constant 0 : i32
    %dma_wait3A_299 = tpu.memref_slice %arg9[%dma_wait3A_296, %dma_wait3A_297, %dma_wait3A_298] : memref<3x128x128xf32, #tpu.memory_space<vmem>> -> memref<1x128x128xf32, #tpu.memory_space<vmem>>
    %dma_wait3A_300 = tpu.memref_squeeze %dma_wait3A_299 : memref<1x128x128xf32, #tpu.memory_space<vmem>> -> memref<128x128xf32, #tpu.memory_space<vmem>>
    %dma_wait3A_301 = arith.constant 384 : i32
    %dma_wait3A_302 = tpu.memref_slice %arg7[%dma_wait3A_301] : memref<512xi32, #tpu.memory_space<vmem>> -> memref<128xi32, #tpu.memory_space<vmem>>
    %dma_wait3A_303 = arith.constant 0 : i32
    %dma_wait3A_304 = arith.constant 0 : i32
    %dma_wait3A_305 = tpu.memref_slice %arg2[%dma_wait3A_303, %dma_wait3A_304] : memref<100000x128xf32, #tpu.memory_space<hbm>> -> memref<100000x128xf32, #tpu.memory_space<hbm>>
    tpu.wait_indirect_dma semaphore(%arg10 : memref<!tpu.dma_semaphore, #tpu.memory_space<semaphore_mem>>) src(%dma_wait3A_305 : memref<100000x128xf32, #tpu.memory_space<hbm>>) dst(%dma_wait3A_300 : memref<128x128xf32, #tpu.memory_space<vmem>>)
    %add3A_306 = arith.constant 384 : i32
    %add3A_307 = arith.addi %mul3A_2, %add3A_306 : i32
    %dma_start3A_308 = arith.constant 0 : i32
    %dma_start3A_309 = arith.constant 0 : i32
    %dma_start3A_310 = arith.constant 0 : i32
    %dma_start3A_311 = tpu.memref_slice %arg9[%dma_start3A_308, %dma_start3A_309, %dma_start3A_310] : memref<3x128x128xf32, #tpu.memory_space<vmem>> -> memref<1x128x128xf32, #tpu.memory_space<vmem>>
    %dma_start3A_312 = tpu.memref_squeeze %dma_start3A_311 : memref<1x128x128xf32, #tpu.memory_space<vmem>> -> memref<128x128xf32, #tpu.memory_space<vmem>>
    %dma_start3A_313 = arith.constant 0 : i32
    %dma_start3A_314 = tpu.memref_slice %arg5[%add3A_307, %dma_start3A_313] : memref<16384x128xf32, #tpu.memory_space<hbm>> -> memref<128x128xf32, #tpu.memory_space<hbm>>
    %dma_start3A_315 = arith.constant 0 : i32
    %dma_start3A_316 = tpu.memref_slice %arg5[%add3A_307, %dma_start3A_315] : memref<16384x128xf32, #tpu.memory_space<hbm>> -> memref<128x128xf32, #tpu.memory_space<hbm>>
    %dma_start3A_317 = arith.constant 0 : i32
    %dma_start3A_318 = arith.constant 0 : i32
    %dma_start3A_319 = tpu.memref_slice %arg9[%dma_start3A_308, %dma_start3A_317, %dma_start3A_318] : memref<3x128x128xf32, #tpu.memory_space<vmem>> -> memref<1x128x128xf32, #tpu.memory_space<vmem>>
    %dma_start3A_320 = tpu.memref_squeeze %dma_start3A_319 : memref<1x128x128xf32, #tpu.memory_space<vmem>> -> memref<128x128xf32, #tpu.memory_space<vmem>>
    tpu.enqueue_dma source(%dma_start3A_320 : memref<128x128xf32, #tpu.memory_space<vmem>>) target(%dma_start3A_316 : memref<128x128xf32, #tpu.memory_space<hbm>>) target_semaphore(%arg13 : memref<!tpu.dma_semaphore, #tpu.memory_space<semaphore_mem>>)
    %dma_wait3A_321 = arith.constant 1 : i32
    %dma_wait3A_322 = arith.constant 0 : i32
    %dma_wait3A_323 = arith.constant 0 : i32
    %dma_wait3A_324 = tpu.memref_slice %arg9[%dma_wait3A_321, %dma_wait3A_322, %dma_wait3A_323] : memref<3x128x128xf32, #tpu.memory_space<vmem>> -> memref<1x128x128xf32, #tpu.memory_space<vmem>>
    %dma_wait3A_325 = tpu.memref_squeeze %dma_wait3A_324 : memref<1x128x128xf32, #tpu.memory_space<vmem>> -> memref<128x128xf32, #tpu.memory_space<vmem>>
    %dma_wait3A_326 = arith.constant 384 : i32
    %dma_wait3A_327 = tpu.memref_slice %arg8[%dma_wait3A_326] : memref<512xi32, #tpu.memory_space<vmem>> -> memref<128xi32, #tpu.memory_space<vmem>>
    %dma_wait3A_328 = arith.constant 0 : i32
    %dma_wait3A_329 = arith.constant 0 : i32
    %dma_wait3A_330 = tpu.memref_slice %arg2[%dma_wait3A_328, %dma_wait3A_329] : memref<100000x128xf32, #tpu.memory_space<hbm>> -> memref<100000x128xf32, #tpu.memory_space<hbm>>
    tpu.wait_indirect_dma semaphore(%arg11 : memref<!tpu.dma_semaphore, #tpu.memory_space<semaphore_mem>>) src(%dma_wait3A_330 : memref<100000x128xf32, #tpu.memory_space<hbm>>) dst(%dma_wait3A_325 : memref<128x128xf32, #tpu.memory_space<vmem>>)
    %add3A_331 = arith.constant 384 : i32
    %add3A_332 = arith.addi %mul3A_2, %add3A_331 : i32
    %dma_start3A_333 = arith.constant 1 : i32
    %dma_start3A_334 = arith.constant 0 : i32
    %dma_start3A_335 = arith.constant 0 : i32
    %dma_start3A_336 = tpu.memref_slice %arg9[%dma_start3A_333, %dma_start3A_334, %dma_start3A_335] : memref<3x128x128xf32, #tpu.memory_space<vmem>> -> memref<1x128x128xf32, #tpu.memory_space<vmem>>
    %dma_start3A_337 = tpu.memref_squeeze %dma_start3A_336 : memref<1x128x128xf32, #tpu.memory_space<vmem>> -> memref<128x128xf32, #tpu.memory_space<vmem>>
    %dma_start3A_338 = arith.constant 0 : i32
    %dma_start3A_339 = tpu.memref_slice %arg6[%add3A_332, %dma_start3A_338] : memref<16384x128xf32, #tpu.memory_space<hbm>> -> memref<128x128xf32, #tpu.memory_space<hbm>>
    %dma_start3A_340 = arith.constant 0 : i32
    %dma_start3A_341 = tpu.memref_slice %arg6[%add3A_332, %dma_start3A_340] : memref<16384x128xf32, #tpu.memory_space<hbm>> -> memref<128x128xf32, #tpu.memory_space<hbm>>
    %dma_start3A_342 = arith.constant 0 : i32
    %dma_start3A_343 = arith.constant 0 : i32
    %dma_start3A_344 = tpu.memref_slice %arg9[%dma_start3A_333, %dma_start3A_342, %dma_start3A_343] : memref<3x128x128xf32, #tpu.memory_space<vmem>> -> memref<1x128x128xf32, #tpu.memory_space<vmem>>
    %dma_start3A_345 = tpu.memref_squeeze %dma_start3A_344 : memref<1x128x128xf32, #tpu.memory_space<vmem>> -> memref<128x128xf32, #tpu.memory_space<vmem>>
    tpu.enqueue_dma source(%dma_start3A_345 : memref<128x128xf32, #tpu.memory_space<vmem>>) target(%dma_start3A_341 : memref<128x128xf32, #tpu.memory_space<hbm>>) target_semaphore(%arg14 : memref<!tpu.dma_semaphore, #tpu.memory_space<semaphore_mem>>)
    %dma_wait3A_346 = arith.constant 2 : i32
    %dma_wait3A_347 = arith.constant 0 : i32
    %dma_wait3A_348 = arith.constant 0 : i32
    %dma_wait3A_349 = tpu.memref_slice %arg9[%dma_wait3A_346, %dma_wait3A_347, %dma_wait3A_348] : memref<3x128x128xf32, #tpu.memory_space<vmem>> -> memref<1x128x128xf32, #tpu.memory_space<vmem>>
    %dma_wait3A_350 = tpu.memref_squeeze %dma_wait3A_349 : memref<1x128x128xf32, #tpu.memory_space<vmem>> -> memref<128x128xf32, #tpu.memory_space<vmem>>
    %dma_wait3A_351 = arith.constant 0 : i32
    %dma_wait3A_352 = tpu.memref_slice %arg6[%add3A_259, %dma_wait3A_351] : memref<16384x128xf32, #tpu.memory_space<hbm>> -> memref<128x128xf32, #tpu.memory_space<hbm>>
    %dma_wait3A_353 = arith.constant 0 : i32
    %dma_wait3A_354 = tpu.memref_slice %arg6[%add3A_259, %dma_wait3A_353] : memref<16384x128xf32, #tpu.memory_space<hbm>> -> memref<128x128xf32, #tpu.memory_space<hbm>>
    %dma_wait3A_355 = arith.constant 0 : i32
    %dma_wait3A_356 = arith.constant 0 : i32
    %dma_wait3A_357 = tpu.memref_slice %arg9[%dma_wait3A_346, %dma_wait3A_355, %dma_wait3A_356] : memref<3x128x128xf32, #tpu.memory_space<vmem>> -> memref<1x128x128xf32, #tpu.memory_space<vmem>>
    %dma_wait3A_358 = tpu.memref_squeeze %dma_wait3A_357 : memref<1x128x128xf32, #tpu.memory_space<vmem>> -> memref<128x128xf32, #tpu.memory_space<vmem>>
    tpu.wait_dma2 semaphore(%arg15 : memref<!tpu.dma_semaphore, #tpu.memory_space<semaphore_mem>>) src(%dma_wait3A_358 : memref<128x128xf32, #tpu.memory_space<vmem>>) dst(%dma_wait3A_354 : memref<128x128xf32, #tpu.memory_space<hbm>>)
    %dma_wait3A_359 = arith.constant 0 : i32
    %dma_wait3A_360 = arith.constant 0 : i32
    %dma_wait3A_361 = arith.constant 0 : i32
    %dma_wait3A_362 = tpu.memref_slice %arg9[%dma_wait3A_359, %dma_wait3A_360, %dma_wait3A_361] : memref<3x128x128xf32, #tpu.memory_space<vmem>> -> memref<1x128x128xf32, #tpu.memory_space<vmem>>
    %dma_wait3A_363 = tpu.memref_squeeze %dma_wait3A_362 : memref<1x128x128xf32, #tpu.memory_space<vmem>> -> memref<128x128xf32, #tpu.memory_space<vmem>>
    %dma_wait3A_364 = arith.constant 0 : i32
    %dma_wait3A_365 = tpu.memref_slice %arg5[%add3A_307, %dma_wait3A_364] : memref<16384x128xf32, #tpu.memory_space<hbm>> -> memref<128x128xf32, #tpu.memory_space<hbm>>
    %dma_wait3A_366 = arith.constant 0 : i32
    %dma_wait3A_367 = tpu.memref_slice %arg5[%add3A_307, %dma_wait3A_366] : memref<16384x128xf32, #tpu.memory_space<hbm>> -> memref<128x128xf32, #tpu.memory_space<hbm>>
    %dma_wait3A_368 = arith.constant 0 : i32
    %dma_wait3A_369 = arith.constant 0 : i32
    %dma_wait3A_370 = tpu.memref_slice %arg9[%dma_wait3A_359, %dma_wait3A_368, %dma_wait3A_369] : memref<3x128x128xf32, #tpu.memory_space<vmem>> -> memref<1x128x128xf32, #tpu.memory_space<vmem>>
    %dma_wait3A_371 = tpu.memref_squeeze %dma_wait3A_370 : memref<1x128x128xf32, #tpu.memory_space<vmem>> -> memref<128x128xf32, #tpu.memory_space<vmem>>
    tpu.wait_dma2 semaphore(%arg13 : memref<!tpu.dma_semaphore, #tpu.memory_space<semaphore_mem>>) src(%dma_wait3A_371 : memref<128x128xf32, #tpu.memory_space<vmem>>) dst(%dma_wait3A_367 : memref<128x128xf32, #tpu.memory_space<hbm>>)
    %dma_wait3A_372 = arith.constant 1 : i32
    %dma_wait3A_373 = arith.constant 0 : i32
    %dma_wait3A_374 = arith.constant 0 : i32
    %dma_wait3A_375 = tpu.memref_slice %arg9[%dma_wait3A_372, %dma_wait3A_373, %dma_wait3A_374] : memref<3x128x128xf32, #tpu.memory_space<vmem>> -> memref<1x128x128xf32, #tpu.memory_space<vmem>>
    %dma_wait3A_376 = tpu.memref_squeeze %dma_wait3A_375 : memref<1x128x128xf32, #tpu.memory_space<vmem>> -> memref<128x128xf32, #tpu.memory_space<vmem>>
    %dma_wait3A_377 = arith.constant 0 : i32
    %dma_wait3A_378 = tpu.memref_slice %arg6[%add3A_332, %dma_wait3A_377] : memref<16384x128xf32, #tpu.memory_space<hbm>> -> memref<128x128xf32, #tpu.memory_space<hbm>>
    %dma_wait3A_379 = arith.constant 0 : i32
    %dma_wait3A_380 = tpu.memref_slice %arg6[%add3A_332, %dma_wait3A_379] : memref<16384x128xf32, #tpu.memory_space<hbm>> -> memref<128x128xf32, #tpu.memory_space<hbm>>
    %dma_wait3A_381 = arith.constant 0 : i32
    %dma_wait3A_382 = arith.constant 0 : i32
    %dma_wait3A_383 = tpu.memref_slice %arg9[%dma_wait3A_372, %dma_wait3A_381, %dma_wait3A_382] : memref<3x128x128xf32, #tpu.memory_space<vmem>> -> memref<1x128x128xf32, #tpu.memory_space<vmem>>
    %dma_wait3A_384 = tpu.memref_squeeze %dma_wait3A_383 : memref<1x128x128xf32, #tpu.memory_space<vmem>> -> memref<128x128xf32, #tpu.memory_space<vmem>>
    tpu.wait_dma2 semaphore(%arg14 : memref<!tpu.dma_semaphore, #tpu.memory_space<semaphore_mem>>) src(%dma_wait3A_384 : memref<128x128xf32, #tpu.memory_space<vmem>>) dst(%dma_wait3A_380 : memref<128x128xf32, #tpu.memory_space<hbm>>)
    return
  }
}

module attributes {stable_mosaic.version = 14 : i64} {
  func.func @_tc_dist(%arg0: i32, %arg1: memref<4096x128xf32, #tpu.memory_space<vmem>>, %arg2: memref<4096x128xf32, #tpu.memory_space<vmem>>, %arg3: memref<1x1xf32, #tpu.memory_space<vmem>>, %arg4: memref<1x1x4096xf32, #tpu.memory_space<vmem>>) attributes {dimension_semantics = [#tpu.dimension_semantics<arbitrary>], iteration_bounds = array<i64: 4>, scalar_prefetch = 0 : i64, scratch_operands = 0 : i64, tpu.core_type = #tpu.core_type<tc>, window_params = [{transform_indices = @transform_0, window_bounds = array<i64: 4096, 128>}, {transform_indices = @transform_1, window_bounds = array<i64: 4096, 128>}, {pipeline_mode = #tpu.pipeline_mode<synchronous>, transform_indices = @transform_2, window_bounds = array<i64: 1, 1>}, {transform_indices = @transform_3, window_bounds = array<i64: 1, 1, 4096>}]} {
    %get3A = arith.constant 0 : index
    %get3A_0 = arith.constant 0 : index
    %get3A_1 = vector.load %arg1[%get3A, %get3A_0] : memref<4096x128xf32, #tpu.memory_space<vmem>>, vector<4096x128xf32>
    %get3A_2 = arith.constant 0 : index
    %get3A_3 = arith.constant 0 : index
    %get3A_4 = vector.load %arg2[%get3A_2, %get3A_3] : memref<4096x128xf32, #tpu.memory_space<vmem>>, vector<4096x128xf32>
    %sub3A = arith.subf %get3A_1, %get3A_4 : vector<4096x128xf32>
    %broadcast_in_dim3A = arith.constant 1.000000e+00 : bf16
    %broadcast_in_dim3A_5 = vector.broadcast %broadcast_in_dim3A : bf16 to vector<8x128xbf16>
    %mul3A = arith.mulf %sub3A, %sub3A : vector<4096x128xf32>
    %convert_element_type3A = arith.truncf %mul3A : vector<4096x128xf32> to vector<4096x128xbf16>
    %convert_element_type3A_6 = arith.extf %convert_element_type3A : vector<4096x128xbf16> to vector<4096x128xf32>
    %mul3A_7 = arith.mulf %get3A_1, %get3A_1 : vector<4096x128xf32>
    %convert_element_type3A_8 = arith.truncf %mul3A_7 : vector<4096x128xf32> to vector<4096x128xbf16>
    %dot_general3A = arith.constant dense<0.000000e+00> : vector<8x4096xf32>
    %dot_general3A_9 = tpu.matmul %broadcast_in_dim3A_5, %convert_element_type3A_8, %dot_general3A {dimension_numbers = #tpu.dot_dimension_numbers<[1], [1], [0], [0], [0, 0, 1, 0], [], []>, transpose_lhs_hint = false} : vector<8x128xbf16>, vector<4096x128xbf16>, vector<8x4096xf32> -> vector<8x4096xf32>
    %slice3A = vector.extract_strided_slice %dot_general3A_9 {offsets = [0, 0], sizes = [1, 4096], strides = [1, 1]} : vector<8x4096xf32> to vector<1x4096xf32>
    %mul3A_10 = arith.mulf %get3A_4, %get3A_4 : vector<4096x128xf32>
    %convert_element_type3A_11 = arith.truncf %mul3A_10 : vector<4096x128xf32> to vector<4096x128xbf16>
    %dot_general3A_12 = arith.constant dense<0.000000e+00> : vector<8x4096xf32>
    %dot_general3A_13 = tpu.matmul %broadcast_in_dim3A_5, %convert_element_type3A_11, %dot_general3A_12 {dimension_numbers = #tpu.dot_dimension_numbers<[1], [1], [0], [0], [0, 0, 1, 0], [], []>, transpose_lhs_hint = false} : vector<8x128xbf16>, vector<4096x128xbf16>, vector<8x4096xf32> -> vector<8x4096xf32>
    %slice3A_14 = vector.extract_strided_slice %dot_general3A_13 {offsets = [0, 0], sizes = [1, 4096], strides = [1, 1]} : vector<8x4096xf32> to vector<1x4096xf32>
    %convert_element_type3A_15 = arith.truncf %convert_element_type3A_6 : vector<4096x128xf32> to vector<4096x128xbf16>
    %dot_general3A_16 = arith.constant dense<0.000000e+00> : vector<8x4096xf32>
    %dot_general3A_17 = tpu.matmul %broadcast_in_dim3A_5, %convert_element_type3A_15, %dot_general3A_16 {dimension_numbers = #tpu.dot_dimension_numbers<[1], [1], [0], [0], [0, 0, 1, 0], [], []>, transpose_lhs_hint = false} : vector<8x128xbf16>, vector<4096x128xbf16>, vector<8x4096xf32> -> vector<8x4096xf32>
    %sub3A_18 = arith.subf %mul3A, %convert_element_type3A_6 : vector<4096x128xf32>
    %convert_element_type3A_19 = arith.truncf %sub3A_18 : vector<4096x128xf32> to vector<4096x128xbf16>
    %dot_general3A_20 = arith.constant dense<0.000000e+00> : vector<8x4096xf32>
    %dot_general3A_21 = tpu.matmul %broadcast_in_dim3A_5, %convert_element_type3A_19, %dot_general3A_20 {dimension_numbers = #tpu.dot_dimension_numbers<[1], [1], [0], [0], [0, 0, 1, 0], [], []>, transpose_lhs_hint = false} : vector<8x128xbf16>, vector<4096x128xbf16>, vector<8x4096xf32> -> vector<8x4096xf32>
    %add3A = arith.addf %dot_general3A_17, %dot_general3A_21 : vector<8x4096xf32>
    %slice3A_22 = vector.extract_strided_slice %add3A {offsets = [0, 0], sizes = [1, 4096], strides = [1, 1]} : vector<8x4096xf32> to vector<1x4096xf32>
    %sub3A_23 = arith.constant 1.000000e+00 : f32
    %sub3A_24 = vector.broadcast %sub3A_23 : f32 to vector<1x4096xf32>
    %sub3A_25 = arith.subf %sub3A_24, %slice3A : vector<1x4096xf32>
    %max3A = arith.constant 1.000000e-07 : f32
    %max3A_26 = vector.broadcast %max3A : f32 to vector<1x4096xf32>
    %max3A_27 = arith.maximumf %sub3A_25, %max3A_26 : vector<1x4096xf32>
    %sub3A_28 = arith.constant 1.000000e+00 : f32
    %sub3A_29 = vector.broadcast %sub3A_28 : f32 to vector<1x4096xf32>
    %sub3A_30 = arith.subf %sub3A_29, %slice3A_14 : vector<1x4096xf32>
    %max3A_31 = arith.constant 1.000000e-07 : f32
    %max3A_32 = vector.broadcast %max3A_31 : f32 to vector<1x4096xf32>
    %max3A_33 = arith.maximumf %sub3A_30, %max3A_32 : vector<1x4096xf32>
    %mul3A_34 = arith.mulf %max3A_27, %max3A_33 : vector<1x4096xf32>
    %mul3A_35 = arith.constant 2.000000e+00 : f32
    %mul3A_36 = vector.broadcast %mul3A_35 : f32 to vector<1x4096xf32>
    %mul3A_37 = arith.mulf %mul3A_36, %slice3A_22 : vector<1x4096xf32>
    %div3A = arith.divf %mul3A_37, %mul3A_34 : vector<1x4096xf32>
    %add3A_38 = arith.constant 1.000000e+00 : f32
    %add3A_39 = vector.broadcast %add3A_38 : f32 to vector<1x4096xf32>
    %add3A_40 = arith.addf %add3A_39, %div3A : vector<1x4096xf32>
    %max3A_41 = arith.constant 1.00000012 : f32
    %max3A_42 = vector.broadcast %max3A_41 : f32 to vector<1x4096xf32>
    %max3A_43 = arith.maximumf %add3A_40, %max3A_42 : vector<1x4096xf32>
    %get3A_44 = arith.constant 0 : index
    %get3A_45 = arith.constant 0 : index
    %get3A_46 = vector.load %arg3[%get3A_44, %get3A_45] : memref<1x1xf32, #tpu.memory_space<vmem>>, vector<1x1xf32>
    %get3A_47 = vector.extract %get3A_46[0, 0] : f32 from vector<1x1xf32>
    %div3A_48 = arith.constant 1.000000e+00 : f32
    %div3A_49 = arith.divf %get3A_47, %div3A_48 : f32
    %max3A_50 = arith.constant 1.000000e-01 : f32
    %max3A_51 = arith.maximumf %div3A_49, %max3A_50 : f32
    %sub3A_52 = arith.constant 1.000000e+00 : f32
    %sub3A_53 = vector.broadcast %sub3A_52 : f32 to vector<1x4096xf32>
    %sub3A_54 = arith.subf %max3A_43, %sub3A_53 : vector<1x4096xf32>
    %add3A_55 = arith.constant 1.000000e+00 : f32
    %add3A_56 = vector.broadcast %add3A_55 : f32 to vector<1x4096xf32>
    %add3A_57 = arith.addf %max3A_43, %add3A_56 : vector<1x4096xf32>
    %mul3A_58 = arith.mulf %sub3A_54, %add3A_57 : vector<1x4096xf32>
    %sqrt3A = math.sqrt %mul3A_58 : vector<1x4096xf32>
    %add3A_59 = arith.addf %max3A_43, %sqrt3A : vector<1x4096xf32>
    %log3A = math.log %add3A_59 : vector<1x4096xf32>
    %mul3A_60 = vector.broadcast %max3A_51 : f32 to vector<1x4096xf32>
    %mul3A_61 = arith.mulf %log3A, %mul3A_60 : vector<1x4096xf32>
    %reshape3A = vector.shape_cast %mul3A_61 : vector<1x4096xf32> to vector<1x1x4096xf32>
    %swap3A = arith.constant 0 : index
    %swap3A_62 = arith.constant 0 : index
    %swap3A_63 = arith.constant 0 : index
    %swap3A_64 = vector.load %arg4[%swap3A, %swap3A_62, %swap3A_63] : memref<1x1x4096xf32, #tpu.memory_space<vmem>>, vector<1x1x4096xf32>
    tpu.vector_store %arg4[%swap3A, %swap3A_62, %swap3A_63], %reshape3A {strides = array<i32>} : memref<1x1x4096xf32, #tpu.memory_space<vmem>>, vector<1x1x4096xf32>,
    return
  }
  func.func @transform_0(%arg0: i32) -> (i32, i32) {
    %c0_i32 = arith.constant 0 : i32
    %c0_i32_0 = arith.constant 0 : i32
    return %arg0, %c0_i32 : i32, i32
  }
  func.func @transform_1(%arg0: i32) -> (i32, i32) {
    %c0_i32 = arith.constant 0 : i32
    %c0_i32_0 = arith.constant 0 : i32
    return %arg0, %c0_i32 : i32, i32
  }
  func.func @transform_2(%arg0: i32) -> (i32, i32) {
    %c0_i32 = arith.constant 0 : i32
    %c0_i32_0 = arith.constant 0 : i32
    %c0_i32_1 = arith.constant 0 : i32
    return %c0_i32, %c0_i32_0 : i32, i32
  }
  func.func @transform_3(%arg0: i32) -> (i32, i32, i32) {
    %c0_i32 = arith.constant 0 : i32
    %c0_i32_0 = arith.constant 0 : i32
    %c0_i32_1 = arith.constant 0 : i32
    return %arg0, %c0_i32, %c0_i32_0 : i32, i32, i32
  }
}

</mosaic_0001>

<sc_bundles>
// kernel: kernel.4.cloned.1.call-start
scs
__scs_entry_jumppad:
0x0: {  	(pc) =	sbr.rel $0x88, $3  }
0x1: {  	(tag) =	ssettag $0x0;
	lr =	simm.s32 $0x1  }
0x2: {  	[smem:$0x3F9E] =	sst lr;
	_ =	strace $0xD0000000  }
0x3: {  	_ = 	snop  }
0x4: {  	_ = 	snop  }
0x5: {  	_ = 	snop  }
0x6: {  	_ = 	snop  }
0x7: {  	_ = 	snop  }
__scs_overlays_trampoline_lowered:
0x8: {  	[smem:$0x3FAD] =	sst s0  }
0x9: {  	[smem:$0x3FAE] =	sst s1  }
0xa: {  	[smem:$0x3FAF] =	sst s2  }
0xb: {  	[smem:$0x3FB0] =	sst s3  }
0xc: {  	[smem:$0x3FB1] =	sst s4  }
0xd: {  	[smem:$0x3FB2] =	sst s5  }
0xe: {  	[smem:$0x3FB3] =	sst s6  }
0xf: {  	[smem:$0x3FB4] =	sst s7  }
0x10: {  	[smem:$0x3FB5] =	sst s8  }
0x11: {  	[smem:$0x3FB6] =	sst s9;
	s0 =	simm.s32 @!p0 $0x0  }
0x12: {  	s1 =	sld [smem:$0x3F9C];
	s0 =	simm.s32 @p0 $0x1  }
0x13: {  	[smem:$0x3FB7] =	sst s0;
	s0 =	simm.s32 @!p1 $0x0  }
0x14: {  	s2 =	sld [smem:$0x3F9B];
	s0 =	simm.s32 @p1 $0x1  }
0x15: {  	[smem:$0x3FB8] =	sst s0;
	s0 =	simm.s32 @!p2 $0x0  }
0x16: {  	s3 =	sld [smem:$0x3FDB];
	s0 =	simm.s32 @p2 $0x1  }
0x17: {  	s4 =	simm.s32 $0x1BF5;
	[smem:$0x3FBA] =	sst s0  }
0x18: {  	s0 =	sld [smem:$0x3F9D];
	_ =	swait.ge [sflag:s4], $0x0  }
0x19: {  	s7 =	sld [smem:$0x3F9E]  }
0x1a: {  	s8 =	sadd.s32 $0xFFFFE003, lr  }
0x1b: {  	s9 =	sadd.s32 $0xFFFFFEF7, lr;
	s5 =	simm.s32 $0xFFFFFFFF;
	p2 =	slt.u32 s8, $0xFFFFF086  }
0x1c: {  	p1 =	slt.u32 s9, $0xF7A;
	s5 =	simm.s32 @!p2 $0x0  }
0x1d: {  	s5 =	simm.s32 @p1 $0x1;
	p0 =	seq.s32 s7, s2  }
0x1e: {  	s7 =	smul.u32 @!p0 $0xF7A, s2;
	p2 =	seq.s32 @!p0 s5, $0x0  }
0x1f: {  	s9 =	smul.u32 $0xF7A, s1;
	s8 =	simm.s32 @!p0 $0x1BF5;
	p2 =	por !p2, p0  }
0x20: {  	[sflag:s8] =	ssyncset.s32 @!p0 $0xFFFFF086;
	s6 =	sadd.s32 @!p0 s3, s7;
	s7 =	simm.s32 @!p0 $0x108  }
0x21: {  	s3 =	sadd.s32 s3, s9;
	s6 =	sadd.s32 @!p0 $0x88, s6;
	s7 =	simm.s32 @p2 $0x1082  }
0x22: {  	[simem:s7], [sflag:s8] =	dma.local @!p0 [hbm:s6], $0xF7A  }
0x23: {  	s9 =	sor.u32 $0xD0000000, s2;
	s6 =	simm.s32 $0x108;
	_ =	swait.ge @!p0 [sflag:s8], $0x0  }
0x24: {  	s3 =	sadd.s32 $0x88, s3;
	s6 =	simm.s32 @!p1 $0x1082;
	[sflag:s4] =	ssyncset.s32 $0xFFFFF086  }
0x25: {  	[simem:s6], [sflag:s4] =	dma.local [hbm:s3], $0xF7A  }
0x26: {  	[smem:$0x3F9E] =	sst s1;
	(tag) =	ssettag s2;
	_ =	strace s9  }
0x27: {  	s1 =	sld [smem:$0x3FAE]  }
0x28: {  	s2 =	sld [smem:$0x3FAF]  }
0x29: {  	s4 =	sld [smem:$0x3FB1]  }
0x2a: {  	p0 =	seq.s32 s5, $0x0;
	s5 =	sld [smem:$0x3FB2]  }
0x2b: {  	s6 =	sld [smem:$0x3FB3]  }
0x2c: {  	s7 =	sld [smem:$0x3FB4]  }
0x2d: {  	s3 =	simm.s32 $0x108;
	s8 =	sld [smem:$0x3FB5]  }
0x2e: {  	s3 =	simm.s32 @!p0 $0x1082;
	s9 =	sld [smem:$0x3FB6]  }
0x2f: {  	lr =	sadd.s32 s0, s3;
	s0 =	sld [smem:$0x3FAD]  }
0x30: {  	s3 =	sld [smem:$0x3FB0]  }
0x31: {  	[smem:$0x3FB9] =	sst s10  }
0x32: {  	s10 =	sld [smem:$0x3FB7];
	_ =	sdelay $0x3  }
0x33: {  	p0 =	seq.s32 s10, $0x1;
	s10 =	sld [smem:$0x3FB9];
	_ =	sdelay $0x3  }
0x34: {  	[smem:$0x3FB9] =	sst s10  }
0x35: {  	s10 =	sld [smem:$0x3FB8];
	_ =	sdelay $0x3  }
0x36: {  	p1 =	seq.s32 s10, $0x1;
	s10 =	sld [smem:$0x3FB9];
	_ =	sdelay $0x3  }
0x37: {  	[smem:$0x3FB9] =	sst s10  }
0x38: {  	s10 =	sld [smem:$0x3FBA]  }
0x39: {  	_ = 	snop;
	(pc) =	sbr.ind lr, $3  }
0x3a: {  	_ = 	snop  }
0x3b: {  	_ = 	snop  }
0x3c: {  	p2 =	seq.s32 s10, $0x1;
	s10 =	sld [smem:$0x3FB9]  }
0x3d: {  	_ =	shalt  }
0x3e: {  	_ =	shalt  }
0x3f: {  	_ =	shalt  }
0x40: {  	_ =	shalt  }
0x41: {  	_ =	shalt  }
0x42: {  	_ =	shalt  }
0x43: {  	_ =	shalt  }
0x44: {  	_ =	shalt  }
0x45: {  	_ =	shalt  }
0x46: {  	_ =	shalt  }
0x47: {  	_ =	shalt  }
0x48: {  	_ =	shalt  }
0x49: {  	_ =	shalt  }
0x4a: {  	_ =	shalt  }
0x4b: {  	_ =	shalt  }
0x4c: {  	_ =	shalt  }
0x4d: {  	_ =	shalt  }
0x4e: {  	_ =	shalt  }
0x4f: {  	_ =	shalt  }
0x50: {  	_ =	shalt  }
0x51: {  	_ =	shalt  }
0x52: {  	_ =	shalt  }
0x53: {  	_ =	shalt  }
0x54: {  	_ =	shalt  }
0x55: {  	_ =	shalt  }
0x56: {  	_ =	shalt  }
0x57: {  	_ =	shalt  }
0x58: {  	_ =	shalt  }
0x59: {  	_ =	shalt  }
0x5a: {  	_ =	shalt  }
0x5b: {  	_ =	shalt  }
0x5c: {  	_ =	shalt  }
0x5d: {  	_ =	shalt  }
0x5e: {  	_ =	shalt  }
0x5f: {  	_ =	shalt  }
0x60: {  	_ =	shalt  }
0x61: {  	_ =	shalt  }
0x62: {  	_ =	shalt  }
0x63: {  	_ =	shalt  }
0x64: {  	_ =	shalt  }
0x65: {  	_ =	shalt  }
0x66: {  	_ =	shalt  }
0x67: {  	_ =	shalt  }
0x68: {  	_ =	shalt  }
0x69: {  	_ =	shalt  }
0x6a: {  	_ =	shalt  }
0x6b: {  	_ =	shalt  }
0x6c: {  	_ =	shalt  }
0x6d: {  	_ =	shalt  }
0x6e: {  	_ =	shalt  }
0x6f: {  	_ =	shalt  }
0x70: {  	_ =	shalt  }
0x71: {  	_ =	shalt  }
0x72: {  	_ =	shalt  }
0x73: {  	_ =	shalt  }
0x74: {  	_ =	shalt  }
0x75: {  	_ =	shalt  }
0x76: {  	_ =	shalt  }
0x77: {  	_ =	shalt  }
0x78: {  	_ =	shalt  }
0x79: {  	_ =	shalt  }
0x7a: {  	_ =	shalt  }
0x7b: {  	_ =	shalt  }
0x7c: {  	_ =	shalt  }
0x7d: {  	_ =	shalt  }
0x7e: {  	_ =	shalt  }
0x7f: {  	_ =	shalt  }
0x80: {  	_ =	shalt  }
0x81: {  	_ =	shalt  }
0x82: {  	_ =	shalt  }
0x83: {  	_ =	shalt  }
0x84: {  	_ =	shalt  }
0x85: {  	_ =	shalt  }
0x86: {  	_ =	shalt  }
0x87: {  	_ =	shalt  }
.Lfunc_end0:
.L_simem_size_0:
called_computation_lowered:
.L_overlay_start_0:
0x88: {  	s2 =	sld [smem:$0x3FD9]  }
0x89: {  	s3 =	sld [smem:$0x3FFE];
	_ =	sdelay $0x1  }
0x8a: {  	s1 =	srdreg.scid  }
0x8b: {  	s0 =	sand.u32 $0x1, s1  }
0x8c: {  	s17 =	sshll.u32 s0, $0xA;
	s2 =	sadd.s32 s3, s2  }
0x8d: {  	s2 =	sadd.s32 s2, s17  }
0x8e: {  	[smem:$0x3FC5] =	sst s2  }
0x8f: {  	_ = 	snop  }
0x90: {  	s2 =	sld [smem:$0x3FC8]  }
0x91: {  	s18 =	sld [smem:$0x3FD0];
	(tm) =	ssettm $0x1  }
0x92: {  	s4 =	sld [smem:$0x3FFB];
	_ =	sdelay $0x3  }
0x93: {  	_ =	strace s4  }
0x94: {  	s4 =	sld [smem:$0x3FFC];
	_ =	sdelay $0x3  }
0x95: {  	_ =	strace s4  }
0x96: {  	s4 =	sld [smem:$0x3FFD];
	_ =	sdelay $0x3  }
0x97: {  	_ =	strace s4  }
0x98: {  	_ =	strace $0x8FFFFFFF  }
0x99: {  	s19 =	sld [smem:$0x3FDB];
	_ =	sdelay $0x1  }
0x9a: {  	s5 =	simm.s32 $_scs_section_size  }
0x9b: {  	s6 =	simm.s32 $_size__tile_overlayer_lowered;
	s7 =	simm.s32 $_tile_overlayer_lowered  }
0x9c: {  	s22 =	simm.s32 $0x1BFF;
	s21 =	sshll.u32 s7, $0x1;
	s4 =	sadd.s32 s5, s19  }
0x9d: {  	s8 =	simm.s32 $0x0;
	s20 =	sshll.u32 s6, $0x1;
	s6 =	sadd.s32 s21, s4  }
0x9e: {  	[timem:s8], [sflag:s22] =	dma.local [hbm:s6], s20  }
0x9f: {  	_ =	swait.ge [sflag:s22], s20  }
0xa0: {  	s5 =	ssub.s32 $0x0, s20;
	[sflag:s22] =	ssyncset.done $0x0  }
0xa1: {  	[sflag:s22] =	ssyncadd.s32 s5;
	_ =	sdelay $0x1  }
0xa2: {  	s23 =	simm.s32 $0x1B8B  }
0xa3: {  	_ =	swait.ge [sflag:s23], $0x1  }
0xa4: {  	[sflag:s23] =	ssyncset.done $0x0  }
0xa5: {  	s25 =	simm.s32 $0x1B8E;
	s24 =	sld [smem:$0x3FFE];
	[sflag:s23] =	ssyncadd.s32 $0xFFFFFFFF  }
0xa6: {  	s26 =	simm.s32 $execute0_lowered;
	[smem:$0x3FD2] =	sst s25  }
0xa7: {  	s6 =	sshll.u32 s26, $0x1;
	_ =	strace $0x80000046;
	[dreg:$0x1] =	wrdreg $0xFFFFFFFF  }
0xa8: {  	s28 =	simm.s32 $_size_execute0_lowered;
	s4 =	sadd.s32 s4, s6;
	[dreg:$0x0] =	wrdreg $0x0  }
0xa9: {  	s6 =	sshll.u32 s28, $0x1;
	[dreg:$0x2] =	wrdreg s4  }
0xaa: {  	[dreg:$0x3] =	wrdreg s6  }
0xab: {  	[dreg:$0x4] =	wrdreg $0xC0  }
0xac: {  	_ =	task [dreg:s8], $0x5FFFF  }
0xad: {  	[dreg:$0x1] =	wrdreg $0xFFFFFFFF  }
0xae: {  	[dreg:$0x0] =	wrdreg $0x60  }
0xaf: {  	[dreg:$0x2] =	wrdreg s2  }
0xb0: {  	[dreg:$0x3] =	wrdreg s24  }
0xb1: {  	[dreg:$0x4] =	wrdreg s18  }
0xb2: {  	[dreg:$0x5] =	wrdreg $0x9  }
0xb3: {  	_ =	task.clear_ibuf [dreg:s8], $0x6FFFF;
	_ =	strace $0x90000046  }
0xb4: {  	s29 =	simm.s32 $0x9;
	_ =	strace $0x80000048  }
0xb5: {  	_ =	swait.ge [sflag:s29], $0x1  }
0xb6: {  	[sflag:s29] =	ssyncadd.s32 $0xFFFFFFFF  }
0xb7: {  	_ =	strace $0x90000048  }
0xb8: {  	_ =	sfence  }
0xb9: {  	s30 =	sld [smem:$0x0];
	_ =	sdelay $0x2  }
0xba: {  	s31 =	sshll.u32 s1, $0xD;
	s1 =	sshrl.u32 s1, $0x2  }
0xbb: {  	s3 =	sand.u32 $0x4000, s31;
	s1 =	sadd.s32 s1, s30  }
0xbc: {  	s0 =	sor.u32 s3, s0;
	s1 =	sshll.u32 s1, $0x11  }
0xbd: {  	s0 =	sor.u32 s1, s0  }
0xbe: {  	s0 =	sadd.s32 $0x8F2B, s0  }
0xbf: {  	[sflag:s0] =	ssyncadd.remote.s32 $0x1  }
0xc0: {  	_ =	sfence.sel $0xFFFF  }
0xc1: {  	[dreg:$0x0] =	wrdreg $0xFFFFFFFF;
	(pc) =	sbr.abs _section_cstart, $3  }
0xc2: {  	[dreg:$0x1] =	wrdreg $0xFFFFFFFF  }
0xc3: {  	_ =	task.clear_ibuf [dreg:s8], $0x2FFFF;
	_ =	strace $0x9FFFFFFF  }
0xc4: {  	(tm) =	ssettm $0x7FFFFFFF  }
0xc5: {  	_ =	shalt  }
tec
execute0_lowered:
.L_overlay_start_1:
0x0: {  	(tag) =	ssettag $0x1  }
0x1: {  	s1 =	srdreg.scid  }
0x2: {  	s0 =	stileid.u32;
	s31 =	sand.u32 $0x1, s1  }
0x3: {  	s3 =	sshll.u32 s0, $0xA;
	s4 =	sshll.u32 s31, $0x9  }
0x4: {  	s2 =	rddreg [dreg:$0x0];
	s11 =	sor.u32 s4, s3  }
0x5: {  	s25 =	rddreg [dreg:$0x1];
	s6 =	sshrl.u32 s11, $0x3  }
0x6: {  	s5 =	rddreg [dreg:$0x2];
	s3 =	simm.s32 $0x0;
	s26 =	sadd.s32 s6, s25  }
0x7: {  	[smem:$0x7FF] =	sst s3;
	s4 =	sadd.s32 $0xE00, s26  }
0x8: {  	_ =	strace $0x80000047;
	[dreg:$0x4] =	wrdreg s4  }
0x9: {  	s4 =	simm.s32 $0x7;
	s7 =	rddreg [dreg:$0x4]  }
0xa: {  	[tilespmem:s3], [sflag:$0x7] =	stream.linear.gather [hbm4b:s7+s3], $0x200, $0x38;
	[tilespmem:$0xC400] =	vst v63  }
0xb: {  	_ =	swait.ge [sflag:s4], $0x200  }
0xc: {  	[sflag:s4] =	ssyncset.done $0x0  }
0xd: {  	s5 =	sadd.s32 s5, s6;
	s6 =	simm.s32 $0x200;
	[sflag:s4] =	ssyncadd.s32 $0xFFFFFE00  }
0xe: {  	[tilespmem:s6], [sflag:$0x7] =	stream.linear.gather [hbm4b:s5+s3], $0x200, $0x38;
	[tilespmem:$0xC400] =	vst v63  }
0xf: {  	_ =	swait.ge [sflag:s4], $0x200  }
0x10: {  	[sflag:s4] =	ssyncset.done $0x0  }
0x11: {  	s8 =	simm.s32 $0x400;
	s7 =	simm.s32 $0x80;
	[sflag:s4] =	ssyncadd.s32 $0xFFFFFE00  }
0x12: {  	[tilespmem:s8], [sflag:$0x1] =	stream.indirect.gather [hbm4b:s2+s7], $0x80, s3, s7, $0xb8;
	[tilespmem:$0xC400] =	vst v63  }
0x13: {  	s9 =	simm.s32 $0x4400;
	s10 =	simm.s32 $0x1  }
0x14: {  	[tilespmem:s9], [sflag:$0x2] =	stream.indirect.gather [hbm4b:s2+s7], $0x80, s6, s7, $0xb8;
	[tilespmem:$0xC400] =	vst v63  }
0x15: {  	_ =	swait.ge [sflag:s10], $0x4000  }
0x16: {  	s29 =	sadd.s32 $0x1600, s25;
	s30 =	sshll.u32 s11, $0x4;
	[sflag:s10] =	ssyncset.done $0x0  }
0x17: {  	s11 =	sadd.s32 s29, s30;
	[sflag:s10] =	ssyncadd.s32 $0xFFFFC000  }
0x18: {  	[hbm4b:s11+s3] =	stream.linear.scatter [tilespmem:s8], [sflag:$0x4], $0x4000, $0x38;
	[tilespmem:$0xC400] =	vst v63  }
0x19: {  	s12 =	simm.s32 $0x8400;
	s13 =	simm.s32 $0x2  }
0x1a: {  	[tilespmem:s12], [sflag:$0x3] =	stream.indirect.gather [hbm4b:s2+s7], $0x80, s7, s7, $0xb8;
	[tilespmem:$0xC400] =	vst v63  }
0x1b: {  	_ =	swait.ge [sflag:s13], $0x4000  }
0x1c: {  	s1 =	sadd.s32 $0x41600, s25;
	[sflag:s13] =	ssyncset.done $0x0  }
0x1d: {  	s15 =	simm.s32 $0x4;
	s14 =	sadd.s32 s1, s30;
	[sflag:s13] =	ssyncadd.s32 $0xFFFFC000  }
0x1e: {  	[hbm4b:s14+s3] =	stream.linear.scatter [tilespmem:s9], [sflag:$0x5], $0x4000, $0x38;
	[tilespmem:$0xC400] =	vst v63  }
0x1f: {  	_ =	swait.ge [sflag:s15], $0x4000  }
0x20: {  	[sflag:s15] =	ssyncset.done $0x0  }
0x21: {  	s16 =	simm.s32 $0x280;
	s17 =	simm.s32 $0x3;
	[sflag:s15] =	ssyncadd.s32 $0xFFFFC000  }
0x22: {  	[tilespmem:s8], [sflag:$0x1] =	stream.indirect.gather [hbm4b:s2+s7], $0x80, s16, s7, $0xb8;
	[tilespmem:$0xC400] =	vst v63  }
0x23: {  	_ =	swait.ge [sflag:s17], $0x4000  }
0x24: {  	s21 =	sor.u32 $0x800, s30;
	[sflag:s17] =	ssyncset.done $0x0  }
0x25: {  	s18 =	simm.s32 $0x5;
	s19 =	sadd.s32 s29, s21;
	[sflag:s17] =	ssyncadd.s32 $0xFFFFC000  }
0x26: {  	[hbm4b:s19+s3] =	stream.linear.scatter [tilespmem:s12], [sflag:$0x6], $0x4000, $0x38;
	[tilespmem:$0xC400] =	vst v63  }
0x27: {  	_ =	swait.ge [sflag:s18], $0x4000  }
0x28: {  	[sflag:s18] =	ssyncset.done $0x0  }
0x29: {  	s20 =	simm.s32 $0x100;
	[sflag:s18] =	ssyncadd.s32 $0xFFFFC000  }
0x2a: {  	[tilespmem:s9], [sflag:$0x2] =	stream.indirect.gather [hbm4b:s2+s7], $0x80, s20, s7, $0xb8;
	[tilespmem:$0xC400] =	vst v63  }
0x2b: {  	_ =	swait.ge [sflag:s10], $0x4000  }
0x2c: {  	[sflag:s10] =	ssyncset.done $0x0  }
0x2d: {  	s22 =	simm.s32 $0x6;
	s21 =	sadd.s32 s1, s21;
	[sflag:s10] =	ssyncadd.s32 $0xFFFFC000  }
0x2e: {  	[hbm4b:s21+s3] =	stream.linear.scatter [tilespmem:s8], [sflag:$0x4], $0x4000, $0x38;
	[tilespmem:$0xC400] =	vst v63  }
0x2f: {  	_ =	swait.ge [sflag:s22], $0x4000  }
0x30: {  	[sflag:s22] =	ssyncset.done $0x0  }
0x31: {  	s23 =	simm.s32 $0x300;
	[sflag:s22] =	ssyncadd.s32 $0xFFFFC000  }
0x32: {  	[tilespmem:s12], [sflag:$0x3] =	stream.indirect.gather [hbm4b:s2+s7], $0x80, s23, s7, $0xb8;
	[tilespmem:$0xC400] =	vst v63  }
0x33: {  	_ =	swait.ge [sflag:s13], $0x4000  }
0x34: {  	s26 =	sor.u32 $0x1000, s30;
	[sflag:s13] =	ssyncset.done $0x0  }
0x35: {  	s24 =	sadd.s32 s29, s26;
	[sflag:s13] =	ssyncadd.s32 $0xFFFFC000  }
0x36: {  	[hbm4b:s24+s3] =	stream.linear.scatter [tilespmem:s9], [sflag:$0x5], $0x4000, $0x38;
	[tilespmem:$0xC400] =	vst v63  }
0x37: {  	_ =	swait.ge [sflag:s15], $0x4000  }
0x38: {  	[sflag:s15] =	ssyncset.done $0x0  }
0x39: {  	s25 =	simm.s32 $0x180;
	[sflag:s15] =	ssyncadd.s32 $0xFFFFC000  }
0x3a: {  	[tilespmem:s8], [sflag:$0x1] =	stream.indirect.gather [hbm4b:s2+s7], $0x80, s25, s7, $0xb8;
	[tilespmem:$0xC400] =	vst v63  }
0x3b: {  	_ =	swait.ge [sflag:s17], $0x4000  }
0x3c: {  	[sflag:s17] =	ssyncset.done $0x0  }
0x3d: {  	s26 =	sadd.s32 s1, s26;
	[sflag:s17] =	ssyncadd.s32 $0xFFFFC000  }
0x3e: {  	[hbm4b:s26+s3] =	stream.linear.scatter [tilespmem:s12], [sflag:$0x6], $0x4000, $0x38;
	[tilespmem:$0xC400] =	vst v63  }
0x3f: {  	_ =	swait.ge [sflag:s18], $0x4000  }
0x40: {  	[sflag:s18] =	ssyncset.done $0x0  }
0x41: {  	s28 =	simm.s32 $0x380;
	[sflag:s18] =	ssyncadd.s32 $0xFFFFC000  }
0x42: {  	[tilespmem:s9], [sflag:$0x2] =	stream.indirect.gather [hbm4b:s2+s7], $0x80, s28, s7, $0xb8;
	[tilespmem:$0xC400] =	vst v63  }
0x43: {  	_ =	swait.ge [sflag:s10], $0x4000  }
0x44: {  	s30 =	sor.u32 $0x1800, s30;
	[sflag:s10] =	ssyncset.done $0x0  }
0x45: {  	s29 =	sadd.s32 s29, s30;
	[sflag:s10] =	ssyncadd.s32 $0xFFFFC000  }
0x46: {  	[hbm4b:s29+s3] =	stream.linear.scatter [tilespmem:s8], [sflag:$0x4], $0x4000, $0x38;
	[tilespmem:$0xC400] =	vst v63  }
0x47: {  	s30 =	sadd.s32 s1, s30;
	s1 =	ssub.s32 $0x2, s31;
	_ =	swait.ge [sflag:s13], $0x4000  }
0x48: {  	s31 =	sshrl.u32 s1, $0x1;
	[sflag:s13] =	ssyncset.done $0x0  }
0x49: {  	s1 =	ssub.s32 s1, s31;
	[sflag:s13] =	ssyncadd.s32 $0xFFFFC000  }
0x4a: {  	[hbm4b:s30+s3] =	stream.linear.scatter [tilespmem:s9], [sflag:$0x5], $0x4000, $0x38;
	[tilespmem:$0xC400] =	vst v63  }
0x4b: {  	s1 =	smax.u32 s1, $0x1;
	_ =	swait.ge [sflag:s22], $0x4000  }
0x4c: {  	p0 =	sne.s32 s1, $0x1;
	[sflag:s22] =	ssyncset.done $0x0  }
.Ltmp0:
0x4d: {  	[sflag:s22] =	ssyncadd.s32 $0xFFFFC000;
	(pc) =	sbr.rel @!p0 .LBB2_2-.Ltmp0, $4  }
0x4e: {  	_ =	swait.ge [sflag:s15], $0x4000  }
0x4f: {  	[sflag:s15] =	ssyncset.done $0x0  }
0x50: {  	[sflag:s15] =	ssyncadd.s32 $0xFFFFC000  }
0x51: {  	s31 =	sadd.s32 $0xFFFFFFFF, s1;
	_ =	swait.ge [sflag:s18], $0x4000  }
.LBB2_1:
0x52: {  	[sflag:s18] =	ssyncset.done $0x0  }
0x53: {  	s1 =	rddreg [dreg:$0x4];
	[sflag:s18] =	ssyncadd.s32 $0xFFFFC000  }
0x54: {  	[tilespmem:s3], [sflag:$0x7] =	stream.linear.gather [hbm4b:s1+s3], $0x200, $0x38;
	[tilespmem:$0xC400] =	vst v63  }
0x55: {  	_ =	swait.ge [sflag:s4], $0x200  }
0x56: {  	[sflag:s4] =	ssyncset.done $0x0  }
0x57: {  	[sflag:s4] =	ssyncadd.s32 $0xFFFFFE00  }
0x58: {  	[tilespmem:s6], [sflag:$0x7] =	stream.linear.gather [hbm4b:s5+s3], $0x200, $0x38;
	[tilespmem:$0xC400] =	vst v63  }
0x59: {  	_ =	swait.ge [sflag:s4], $0x200  }
0x5a: {  	[sflag:s4] =	ssyncset.done $0x0  }
0x5b: {  	[sflag:s4] =	ssyncadd.s32 $0xFFFFFE00  }
0x5c: {  	[tilespmem:s8], [sflag:$0x1] =	stream.indirect.gather [hbm4b:s2+s7], $0x80, s3, s7, $0xb8;
	[tilespmem:$0xC400] =	vst v63  }
0x5d: {  	_ = 	snop  }
0x5e: {  	[tilespmem:s9], [sflag:$0x2] =	stream.indirect.gather [hbm4b:s2+s7], $0x80, s6, s7, $0xb8;
	[tilespmem:$0xC400] =	vst v63  }
0x5f: {  	_ =	swait.ge [sflag:s10], $0x4000  }
0x60: {  	[sflag:s10] =	ssyncset.done $0x0  }
0x61: {  	[sflag:s10] =	ssyncadd.s32 $0xFFFFC000  }
0x62: {  	[hbm4b:s11+s3] =	stream.linear.scatter [tilespmem:s8], [sflag:$0x4], $0x4000, $0x38;
	[tilespmem:$0xC400] =	vst v63  }
0x63: {  	_ = 	snop  }
0x64: {  	[tilespmem:s12], [sflag:$0x3] =	stream.indirect.gather [hbm4b:s2+s7], $0x80, s7, s7, $0xb8;
	[tilespmem:$0xC400] =	vst v63  }
0x65: {  	_ =	swait.ge [sflag:s13], $0x4000  }
0x66: {  	[sflag:s13] =	ssyncset.done $0x0  }
0x67: {  	[sflag:s13] =	ssyncadd.s32 $0xFFFFC000  }
0x68: {  	[hbm4b:s14+s3] =	stream.linear.scatter [tilespmem:s9], [sflag:$0x5], $0x4000, $0x38;
	[tilespmem:$0xC400] =	vst v63  }
0x69: {  	_ =	swait.ge [sflag:s15], $0x4000  }
0x6a: {  	[sflag:s15] =	ssyncset.done $0x0  }
0x6b: {  	[sflag:s15] =	ssyncadd.s32 $0xFFFFC000  }
0x6c: {  	[tilespmem:s8], [sflag:$0x1] =	stream.indirect.gather [hbm4b:s2+s7], $0x80, s16, s7, $0xb8;
	[tilespmem:$0xC400] =	vst v63  }
0x6d: {  	_ =	swait.ge [sflag:s17], $0x4000  }
0x6e: {  	[sflag:s17] =	ssyncset.done $0x0  }
0x6f: {  	[sflag:s17] =	ssyncadd.s32 $0xFFFFC000  }
0x70: {  	[hbm4b:s19+s3] =	stream.linear.scatter [tilespmem:s12], [sflag:$0x6], $0x4000, $0x38;
	[tilespmem:$0xC400] =	vst v63  }
0x71: {  	_ =	swait.ge [sflag:s18], $0x4000  }
0x72: {  	[sflag:s18] =	ssyncset.done $0x0  }
0x73: {  	[sflag:s18] =	ssyncadd.s32 $0xFFFFC000  }
0x74: {  	[tilespmem:s9], [sflag:$0x2] =	stream.indirect.gather [hbm4b:s2+s7], $0x80, s20, s7, $0xb8;
	[tilespmem:$0xC400] =	vst v63  }
0x75: {  	_ =	swait.ge [sflag:s10], $0x4000  }
0x76: {  	[sflag:s10] =	ssyncset.done $0x0  }
0x77: {  	[sflag:s10] =	ssyncadd.s32 $0xFFFFC000  }
0x78: {  	[hbm4b:s21+s3] =	stream.linear.scatter [tilespmem:s8], [sflag:$0x4], $0x4000, $0x38;
	[tilespmem:$0xC400] =	vst v63  }
0x79: {  	_ =	swait.ge [sflag:s22], $0x4000  }
0x7a: {  	[sflag:s22] =	ssyncset.done $0x0  }
0x7b: {  	[sflag:s22] =	ssyncadd.s32 $0xFFFFC000  }
0x7c: {  	[tilespmem:s12], [sflag:$0x3] =	stream.indirect.gather [hbm4b:s2+s7], $0x80, s23, s7, $0xb8;
	[tilespmem:$0xC400] =	vst v63  }
0x7d: {  	_ =	swait.ge [sflag:s13], $0x4000  }
0x7e: {  	[sflag:s13] =	ssyncset.done $0x0  }
0x7f: {  	[sflag:s13] =	ssyncadd.s32 $0xFFFFC000  }
0x80: {  	[hbm4b:s24+s3] =	stream.linear.scatter [tilespmem:s9], [sflag:$0x5], $0x4000, $0x38;
	[tilespmem:$0xC400] =	vst v63  }
0x81: {  	_ =	swait.ge [sflag:s15], $0x4000  }
0x82: {  	[sflag:s15] =	ssyncset.done $0x0  }
0x83: {  	[sflag:s15] =	ssyncadd.s32 $0xFFFFC000  }
0x84: {  	[tilespmem:s8], [sflag:$0x1] =	stream.indirect.gather [hbm4b:s2+s7], $0x80, s25, s7, $0xb8;
	[tilespmem:$0xC400] =	vst v63  }
0x85: {  	_ =	swait.ge [sflag:s17], $0x4000  }
0x86: {  	[sflag:s17] =	ssyncset.done $0x0  }
0x87: {  	[sflag:s17] =	ssyncadd.s32 $0xFFFFC000  }
0x88: {  	[hbm4b:s26+s3] =	stream.linear.scatter [tilespmem:s12], [sflag:$0x6], $0x4000, $0x38;
	[tilespmem:$0xC400] =	vst v63  }
0x89: {  	_ =	swait.ge [sflag:s18], $0x4000  }
0x8a: {  	[sflag:s18] =	ssyncset.done $0x0  }
0x8b: {  	[sflag:s18] =	ssyncadd.s32 $0xFFFFC000  }
0x8c: {  	[tilespmem:s9], [sflag:$0x2] =	stream.indirect.gather [hbm4b:s2+s7], $0x80, s28, s7, $0xb8;
	[tilespmem:$0xC400] =	vst v63  }
0x8d: {  	_ =	swait.ge [sflag:s10], $0x4000  }
0x8e: {  	[sflag:s10] =	ssyncset.done $0x0  }
0x8f: {  	[sflag:s10] =	ssyncadd.s32 $0xFFFFC000  }
0x90: {  	[hbm4b:s29+s3] =	stream.linear.scatter [tilespmem:s8], [sflag:$0x4], $0x4000, $0x38;
	[tilespmem:$0xC400] =	vst v63  }
0x91: {  	_ =	swait.ge [sflag:s13], $0x4000  }
0x92: {  	[sflag:s13] =	ssyncset.done $0x0  }
0x93: {  	[sflag:s13] =	ssyncadd.s32 $0xFFFFC000  }
0x94: {  	[hbm4b:s30+s3] =	stream.linear.scatter [tilespmem:s9], [sflag:$0x5], $0x4000, $0x38;
	[tilespmem:$0xC400] =	vst v63  }
0x95: {  	_ =	swait.ge [sflag:s22], $0x4000  }
0x96: {  	p0 =	sne.s32 s31, $0x1;
	[sflag:s22] =	ssyncset.done $0x0  }
.Ltmp1:
0x97: {  	[sflag:s22] =	ssyncadd.s32 $0xFFFFC000;
	(pc) =	sbr.rel @p0 .LBB2_1-.Ltmp1, $4  }
0x98: {  	_ =	swait.ge [sflag:s15], $0x4000  }
0x99: {  	[sflag:s15] =	ssyncset.done $0x0  }
0x9a: {  	[sflag:s15] =	ssyncadd.s32 $0xFFFFC000  }
0x9b: {  	s31 =	sadd.s32 $0xFFFFFFFF, s31;
	_ =	swait.ge [sflag:s18], $0x4000  }
.LBB2_2:
0x9c: {  	[sflag:s18] =	ssyncset.done $0x0  }
0x9d: {  	[sflag:s18] =	ssyncadd.s32 $0xFFFFC000  }
0x9e: {  	_ =	sfence.sel $0x180000  }
0x9f: {  	[bflag:$0x0] =	sbarrier.arrive $0xFFFF  }
0xa0: {  	_ =	strace $0x90000047  }
0xa1: {  	[bflag:$0x2] =	sbarrier.arrive $0xFFFF  }
0xa2: {  	p0 =	sne.s32 s0, $0x0;
	s0 =	rddreg [dreg:$0x3]  }
0xa3: {  	s0 =	sadd.s32 @!p0 $0x100000, s0  }
0xa4: {  	[sflag:s0] =	ssyncadd.tile.s32 @!p0 $0x1;
	_ =	shalt  }
.Lfunc_end2:
_tile_overlayer_lowered:
.L_overlay_start_2:
0xa5: {  	(tag) =	ssettag $0x2  }
0xa6: {  	s0 =	rddreg [dreg:$0x0];
	s2 =	stileid.u32  }
0xa7: {  	s1 =	rddreg [dreg:$0x1];
	p0 =	sne.s32 s2, $0x0  }
0xa8: {  	s3 =	rddreg [dreg:$0x2];
	[bflag:$0x3] =	sbarrier.arrive $0xFFFF;
	s2 =	simm.s32 @!p0 $0x1C07  }
0xa9: {  	[timem:s3], [sflag:s2] =	dma.local @!p0 [hbm:s0], s1  }
0xaa: {  	s0 =	simm.s32 @!p0 $0x7  }
0xab: {  	_ =	swait.ge @!p0 [sflag:s0], s1  }
0xac: {  	s1 =	ssub.s32 @!p0 $0x0, s1;
	[sflag:s0] =	ssyncset.done @!p0 $0x0  }
0xad: {  	[sflag:s0] =	ssyncadd.s32 @!p0 s1  }
0xae: {  	[bflag:$0x3] =	sbarrier.arrive $0xFFFF  }
0xaf: {  	_ =	shalt  }

</sc_bundles>
